<compile_context>
chip_gen: v7x
topology: tpu7x:2x2x1
jax: 0.10.2.dev20260603
libtpu: 0.0.44.dev20260713+nightly
codegen_flags: <defaults>
</compile_context>

<pallas_src>
import functools
import math

import jax
import jax.numpy as jnp
from jax import lax
from jax.experimental import pallas as pl
from jax.experimental.pallas import tpu as pltpu
from jax.experimental.pallas import tpu_sc as plsc

N_NODES = 10000
N_EDGES = 160000
NUM_ATOM_EMB = 100
ATOM_DIM = 16
HIDDEN = 16
EDGE_DIM = 16
CUTOFF = 6.0
N_GRAPHS = 64

NW = 32
E_PAD = 163840
EPT = E_PAD // NW
B_TC = 8192
N_ACC = 10240
DUMMY_ROW = N_NODES
N_PAD_TBL = 10240
FEAT = 4 * HIDDEN
CHUNK3 = 4096

_BES = 4.0 * math.sqrt(2.0 / CUTOFF)
_C0 = 0.25 * 0.25 * 0.25 / math.sqrt(4.0 * math.pi)
_C1 = _C0 * math.sqrt(3.0)


def _sc_mesh():
    return plsc.VectorSubcoreMesh(core_axis_name="c", subcore_axis_name="s")


def _gather_body(coords_hbm, atnum_hbm, src_hbm, dst_hbm,
                 vx_hbm, vy_hbm, vz_hbm, an_hbm,
                 coords_v, atnum_v, src_v, dst_v, vx_v, vy_v, vz_v, an_v):
    cid = lax.axis_index("c")
    sid = lax.axis_index("s")
    wid = sid * 2 + cid
    base = wid * EPT
    pltpu.sync_copy(coords_hbm, coords_v)
    pltpu.sync_copy(atnum_hbm, atnum_v)
    pltpu.sync_copy(src_hbm.at[pl.ds(base, EPT)], src_v)
    pltpu.sync_copy(dst_hbm.at[pl.ds(base, EPT)], dst_v)

    def body(i, carry):
        off = i * 16
        s = src_v[pl.ds(off, 16)]
        d = dst_v[pl.ds(off, 16)]
        s4 = s * 4
        d4 = d * 4
        vx_v[pl.ds(off, 16)] = (plsc.load_gather(coords_v, [s4])
                                - plsc.load_gather(coords_v, [d4]))
        vy_v[pl.ds(off, 16)] = (plsc.load_gather(coords_v, [s4 + 1])
                                - plsc.load_gather(coords_v, [d4 + 1]))
        vz_v[pl.ds(off, 16)] = (plsc.load_gather(coords_v, [s4 + 2])
                                - plsc.load_gather(coords_v, [d4 + 2]))
        an_v[pl.ds(off, 16)] = plsc.load_gather(atnum_v, [s])
        return carry

    lax.fori_loop(0, EPT // 16, body, 0)
    pltpu.sync_copy(vx_v, vx_hbm.at[pl.ds(base, EPT)])
    pltpu.sync_copy(vy_v, vy_hbm.at[pl.ds(base, EPT)])
    pltpu.sync_copy(vz_v, vz_hbm.at[pl.ds(base, EPT)])
    pltpu.sync_copy(an_v, an_hbm.at[pl.ds(base, EPT)])


def _gather_edges(coords_flat, atnum_pad, src_pad, dst_pad):
    return pl.kernel(
        _gather_body,
        out_type=(
            jax.ShapeDtypeStruct((E_PAD,), jnp.float32),
            jax.ShapeDtypeStruct((E_PAD,), jnp.float32),
            jax.ShapeDtypeStruct((E_PAD,), jnp.float32),
            jax.ShapeDtypeStruct((E_PAD,), jnp.int32),
        ),
        mesh=_sc_mesh(),
        compiler_params=pltpu.CompilerParams(needs_layout_passes=False),
        scratch_types=[
            pltpu.VMEM((N_PAD_TBL * 4,), jnp.float32),
            pltpu.VMEM((N_PAD_TBL,), jnp.int32),
            pltpu.VMEM((EPT,), jnp.int32),
            pltpu.VMEM((EPT,), jnp.int32),
            pltpu.VMEM((EPT,), jnp.float32),
            pltpu.VMEM((EPT,), jnp.float32),
            pltpu.VMEM((EPT,), jnp.float32),
            pltpu.VMEM((EPT,), jnp.int32),
        ],
    )(coords_flat, atnum_pad, src_pad, dst_pad)


def _dense_body(vx_ref, vy_ref, vz_ref, an_ref, atT_ref, w1T_ref, w01T_ref, msg_ref):
    vx = vx_ref[...]
    vy = vy_ref[...]
    vz = vz_ref[...]
    d2 = vx * vx + vy * vy + vz * vz + 1e-24
    dist = jnp.sqrt(d2)
    inv = 1.0 / dist
    ux = vx * inv
    uy = vy * inv
    uz = vz * inv
    dd = jnp.maximum(dist, 1e-6)
    freq = ((lax.broadcasted_iota(jnp.int32, (EDGE_DIM, 1), 0) + 1)
            .astype(jnp.float32) * (math.pi / CUTOFF))
    mask = (dist < CUTOFF).astype(jnp.float32)
    basis = (_BES * mask / dd) * jnp.sin(freq * dd)
    pre = jnp.dot(w1T_ref[...], basis, preferred_element_type=jnp.float32,
                  precision=lax.Precision.HIGHEST)
    hh = pre / (1.0 + jnp.exp(-pre))
    oh = (an_ref[...] == lax.broadcasted_iota(jnp.int32, (128, 1), 0)
          ).astype(jnp.float32)
    a = jnp.dot(atT_ref[...], oh, preferred_element_type=jnp.float32,
                precision=lax.Precision.HIGHEST)
    outer = jnp.concatenate([a * hh[k:k + 1, :] for k in range(HIDDEN)], axis=0)
    big = jnp.dot(w01T_ref[...], outer, preferred_element_type=jnp.float32,
                  precision=lax.Precision.HIGHEST)
    b0 = big[:HIDDEN, :]
    b1 = big[HIDDEN:, :]
    msg_ref[...] = jnp.concatenate([b0, b1 * ux, b1 * uy, b1 * uz], axis=0)


def _dense_messages(vx, vy, vz, an, atableT, fc_w1T, w01T):
    grid = (E_PAD // B_TC,)
    row = pl.BlockSpec((1, B_TC), lambda i: (0, i))
    return pl.pallas_call(
        _dense_body,
        grid=grid,
        in_specs=[
            row, row, row, row,
            pl.BlockSpec((ATOM_DIM, 128), lambda i: (0, 0)),
            pl.BlockSpec((HIDDEN, EDGE_DIM), lambda i: (0, 0)),
            pl.BlockSpec((2 * HIDDEN, 256), lambda i: (0, 0)),
        ],
        out_specs=pl.BlockSpec((FEAT, B_TC), lambda i: (0, i)),
        out_shape=jax.ShapeDtypeStruct((FEAT, E_PAD), jnp.float32),
    )(vx.reshape(1, E_PAD), vy.reshape(1, E_PAD), vz.reshape(1, E_PAD),
      an.reshape(1, E_PAD), atableT, fc_w1T, w01T)


def _scatter_body(msg_hbm, dst_hbm, out_hbm,
                  dst0_v, m00_v, m01_v, dst1_v, m10_v, m11_v,
                  acc0_v, acc1_v, sem0, sem1):
    cid = lax.axis_index("c")
    sid = lax.axis_index("s")
    wid = sid * 2 + cid
    f0 = wid * 2
    nch = E_PAD // CHUNK3

    z = jnp.zeros((16,), jnp.float32)

    def zz(i, carry):
        acc0_v[pl.ds(i * 16, 16)] = z
        acc1_v[pl.ds(i * 16, 16)] = z
        return carry

    lax.fori_loop(0, N_ACC // 16, zz, 0)

    def start(c, dv, m0, m1, sem):
        e0 = c * CHUNK3
        pltpu.async_copy(dst_hbm.at[pl.ds(e0, CHUNK3)], dv, sem)
        pltpu.async_copy(msg_hbm.at[pl.ds(f0 * E_PAD + e0, CHUNK3)], m0, sem)
        pltpu.async_copy(msg_hbm.at[pl.ds((f0 + 1) * E_PAD + e0, CHUNK3)], m1, sem)

    def drain(dv, m0, m1, sem):
        pltpu.make_async_copy(dst_hbm.at[pl.ds(0, CHUNK3)], dv, sem).wait()
        pltpu.make_async_copy(msg_hbm.at[pl.ds(0, CHUNK3)], m0, sem).wait()
        pltpu.make_async_copy(msg_hbm.at[pl.ds(0, CHUNK3)], m1, sem).wait()

    def process(dv, m0, m1):
        def grp(i, cy):
            for u in range(4):
                off = i * 64 + u * 16
                ix = dv[pl.ds(off, 16)]
                plsc.addupdate_scatter(acc0_v, [ix], m0[pl.ds(off, 16)])
                plsc.addupdate_scatter(acc1_v, [ix], m1[pl.ds(off, 16)])
            return cy

        lax.fori_loop(0, CHUNK3 // 64, grp, 0)

    start(0, dst0_v, m00_v, m01_v, sem0)

    def body(i, carry):
        c0 = i * 2
        start(c0 + 1, dst1_v, m10_v, m11_v, sem1)
        drain(dst0_v, m00_v, m01_v, sem0)
        process(dst0_v, m00_v, m01_v)

        @pl.when(c0 + 2 < nch)
        def _():
            start(c0 + 2, dst0_v, m00_v, m01_v, sem0)

        drain(dst1_v, m10_v, m11_v, sem1)
        process(dst1_v, m10_v, m11_v)
        return carry

    lax.fori_loop(0, nch // 2, body, 0)
    pltpu.sync_copy(acc0_v, out_hbm.at[pl.ds(f0 * N_ACC, N_ACC)])
    pltpu.sync_copy(acc1_v, out_hbm.at[pl.ds((f0 + 1) * N_ACC, N_ACC)])


def _scatter_messages(msg_flat, dst_pad):
    return pl.kernel(
        _scatter_body,
        out_type=jax.ShapeDtypeStruct((FEAT * N_ACC,), jnp.float32),
        mesh=_sc_mesh(),
        compiler_params=pltpu.CompilerParams(needs_layout_passes=False),
        scratch_types=[
            pltpu.VMEM((CHUNK3,), jnp.int32),
            pltpu.VMEM((CHUNK3,), jnp.float32),
            pltpu.VMEM((CHUNK3,), jnp.float32),
            pltpu.VMEM((CHUNK3,), jnp.int32),
            pltpu.VMEM((CHUNK3,), jnp.float32),
            pltpu.VMEM((CHUNK3,), jnp.float32),
            pltpu.VMEM((N_ACC,), jnp.float32),
            pltpu.VMEM((N_ACC,), jnp.float32),
            pltpu.SemaphoreType.DMA,
            pltpu.SemaphoreType.DMA,
        ],
    )(msg_flat, dst_pad)


def _readout_body(nt_ref, b_ref, w_ref, rb_ref, nf_ref, gz_ref):
    nt = nt_ref[...]
    nf_ref[...] = jnp.transpose(nt[:, :N_NODES], (1, 0))
    z = jnp.sum(nt[:HIDDEN, :] * w_ref[...], axis=0, keepdims=True) + rb_ref[...]
    oh = (b_ref[...] == lax.broadcasted_iota(jnp.int32, (N_GRAPHS, 1), 0)
          ).astype(jnp.float32)
    gz_ref[...] = jnp.sum(oh * z, axis=1, keepdims=True)


def _readout(nodeT, batch_pad, wcol, rb):
    return pl.pallas_call(
        _readout_body,
        out_shape=(
            jax.ShapeDtypeStruct((N_NODES, FEAT), jnp.float32),
            jax.ShapeDtypeStruct((N_GRAPHS, 1), jnp.float32),
        ),
    )(nodeT, batch_pad, wcol, rb)


def kernel(atomic_numbers, coords, edge_index, batch, atom_table, fc_w1, fc_w2,
           readout_w, readout_b):
    f32 = jnp.float32
    src = edge_index[0].astype(jnp.int32)
    dst = edge_index[1].astype(jnp.int32)
    n_pad = E_PAD - N_EDGES
    src_pad = jnp.concatenate([src, jnp.zeros((n_pad,), jnp.int32)])
    dst_pad = jnp.concatenate([dst, jnp.full((n_pad,), DUMMY_ROW, jnp.int32)])

    coords_flat = (jnp.zeros((N_PAD_TBL, 4), f32)
                   .at[:N_NODES, :3].set(coords.astype(f32)).reshape(-1))
    atnum_pad = jnp.zeros((N_PAD_TBL,), jnp.int32).at[:N_NODES].set(
        atomic_numbers.astype(jnp.int32))

    fc_w1T = jnp.transpose(fc_w1.astype(f32) * 0.25)
    w2r = fc_w2.astype(f32).reshape(HIDDEN, 2, ATOM_DIM, HIDDEN)
    w0r = w2r[:, 0].reshape(HIDDEN * ATOM_DIM, HIDDEN) * _C0
    w1r = w2r[:, 1].reshape(HIDDEN * ATOM_DIM, HIDDEN) * _C1
    w01T = jnp.transpose(jnp.concatenate([w0r, w1r], axis=1))
    atableT = jnp.transpose(jnp.zeros((128, ATOM_DIM), f32)
                            .at[:NUM_ATOM_EMB].set(atom_table.astype(f32)))

    vx, vy, vz, an = _gather_edges(coords_flat, atnum_pad, src_pad, dst_pad)
    msgT = _dense_messages(vx, vy, vz, an, atableT, fc_w1T, w01T)
    node_flat = _scatter_messages(msgT.reshape(-1), dst_pad)

    batch_pad = jnp.concatenate([batch.astype(jnp.int32),
                                 jnp.full((N_ACC - N_NODES,), N_GRAPHS, jnp.int32)])
    nf, gz = _readout(node_flat.reshape(FEAT, N_ACC),
                      batch_pad.reshape(1, N_ACC),
                      readout_w.astype(f32).reshape(HIDDEN, 1),
                      readout_b.astype(f32).reshape(1, 1))
    return gz, nf

# --- scband reference (transcript-rebuilt; emitter-appended) ---
"""Pipeline reference for scband-equi-triton-model-67508295958936 (READ-ONLY COPY).

The authoritative reference and input builder live on the scoring server;
editing this copy changes nothing except your own understanding.
"""

import jax, jax.numpy as jnp
import numpy as np

N_NODES = 10000
N_EDGES = 160000
NUM_ATOM_EMB = 100
ATOM_DIM = 16
HIDDEN = 16
EDGE_DIM = 16
RADIUS_CUTOFF = 6.0
DEGREE_NORM = 4.0
N_GRAPHS = 64


def setup_inputs(seed: int = 0) -> dict:
    key = jax.random.key(seed)
    ks = jax.random.split(key, 9)
    atomic_numbers = jax.random.randint(ks[0], (N_NODES,), 0, NUM_ATOM_EMB)
    coords = jax.random.normal(ks[1], (N_NODES, 3), dtype=jnp.float32)
    edge_index = jax.random.randint(ks[2], (2, N_EDGES), 0, N_NODES)
    batch = jnp.sort(jax.random.randint(ks[3], (N_NODES,), 0, N_GRAPHS))
    # learned params
    atom_table = jax.random.normal(ks[4], (NUM_ATOM_EMB, ATOM_DIM), dtype=jnp.float32).at[0].set(0.0)  # padding_idx=0
    w_numel = 2 * ATOM_DIM * HIDDEN  # paths: 0e x 0e -> 0e and 0e x 1e -> 1e
    fc_w1 = jax.random.normal(ks[5], (EDGE_DIM, HIDDEN), dtype=jnp.float32)
    fc_w2 = jax.random.normal(ks[6], (HIDDEN, w_numel), dtype=jnp.float32)
    readout_w = jax.random.normal(ks[7], (HIDDEN, 1), dtype=jnp.float32)
    readout_b = jnp.zeros((1,), dtype=jnp.float32)
    return {"atomic_numbers": atomic_numbers, "coords": coords, "edge_index": edge_index,
            "batch": batch, "atom_table": atom_table, "fc_w1": fc_w1, "fc_w2": fc_w2,
            "readout_w": readout_w, "readout_b": readout_b}


def _model(atomic_numbers, coords, edge_index, batch, atom_table, fc_w1, fc_w2, readout_w, readout_b):
    src = edge_index[0]
    dst = edge_index[1]
    # 1) edge vectors / distances (gather on coords)
    vec = coords[src] - coords[dst]
    dist = jnp.sqrt(jnp.sum(vec * vec, axis=-1) + 1e-24)
    # 2) spherical harmonics l=[0,1], component-normalized then 'integral' scaling (/sqrt(4pi))
    u = vec / jnp.maximum(dist, 1e-12)[:, None]
    sh0 = jnp.ones((vec.shape[0], 1), dtype=vec.dtype)
    sh1 = jnp.sqrt(3.0) * u
    sph = jnp.concatenate([sh0, sh1], axis=-1) / jnp.sqrt(4.0 * jnp.pi)  # [E, 4]
    # 3) bessel radial basis with cutoff (e3nn soft_one_hot_linspace), scaled by sqrt(num_basis)
    n = jnp.arange(1, EDGE_DIM + 1, dtype=jnp.float32) * jnp.pi
    d = jnp.maximum(dist, 1e-6)[:, None]
    bessel = jnp.sqrt(2.0 / RADIUS_CUTOFF) * jnp.sin(n * d / RADIUS_CUTOFF) / d
    mask = (dist < RADIUS_CUTOFF).astype(jnp.float32)[:, None]
    edge_basis = bessel * mask * jnp.sqrt(float(EDGE_DIM))  # [E, 16]
    # 4) FullyConnectedNet -> per-edge tensor-product weights (fan-in normalized, silu)
    h = jax.nn.silu(edge_basis @ fc_w1 / jnp.sqrt(float(EDGE_DIM)))
    edge_z = (h @ fc_w2) / jnp.sqrt(float(HIDDEN))  # [E, 2*ATOM_DIM*HIDDEN]
    w = edge_z.reshape(-1, 2, ATOM_DIM, HIDDEN)
    # 5) FullyConnectedTensorProduct(atomic 0e feats x sph harmonics) with per-edge weights
    a = atom_table[atomic_numbers][src]  # [E, ATOM_DIM] gather
    path_norm = 1.0 / jnp.sqrt(float(ATOM_DIM))
    out0 = jnp.einsum("ec,ech->eh", a, w[:, 0]) * sph[:, :1] * path_norm  # [E, HIDDEN] (0e)
    out1 = (jnp.einsum("ec,ech->eh", a, w[:, 1])[:, None, :] * sph[:, 1:4, None]) * path_norm  # [E,3,HIDDEN] (1e)
    messages = jnp.concatenate([out0, out1.reshape(-1, 3 * HIDDEN)], axis=-1)  # [E, 4*HIDDEN]
    # 6) scatter-add messages to destination nodes, degree-normalized
    node_feats = jax.ops.segment_sum(messages, dst, num_segments=N_NODES) / DEGREE_NORM
    # 7) scalar readout on the l=0 block, then graph-level scatter-sum over batch ids
    node_z = node_feats[:, :HIDDEN] @ readout_w + readout_b  # [N, 1]
    graph_z = jax.ops.segment_sum(node_z, batch, num_segments=N_GRAPHS)  # [G, 1]
    return graph_z, node_feats


def reference(atomic_numbers, coords, edge_index, batch, atom_table, fc_w1, fc_w2, readout_w, readout_b):
    return _model(atomic_numbers, coords, edge_index, batch, atom_table, fc_w1, fc_w2, readout_w, readout_b)

if __name__ == "__main__":
    import jax
    _d = setup_inputs()
    print(jax.jit(kernel)(*tuple(_d.values())))

</pallas_src>

<mosaic_0001>
#map = affine_map<(d0, d1) -> (0)>
module attributes {stable_mosaic.version = 14 : i64} {
  func.func @_scatter_body(%arg0: i32, %arg1: i32, %arg2: memref<10485760xf32, #tpu.memory_space<hbm>>, %arg3: memref<163840xi32, #tpu.memory_space<hbm>>, %arg4: memref<655360xf32, #tpu.memory_space<hbm>>, %arg5: memref<4096xi32, #tpu.memory_space<vmem>>, %arg6: memref<4096xf32, #tpu.memory_space<vmem>>, %arg7: memref<4096xf32, #tpu.memory_space<vmem>>, %arg8: memref<4096xi32, #tpu.memory_space<vmem>>, %arg9: memref<4096xf32, #tpu.memory_space<vmem>>, %arg10: memref<4096xf32, #tpu.memory_space<vmem>>, %arg11: memref<10240xf32, #tpu.memory_space<vmem>>, %arg12: memref<10240xf32, #tpu.memory_space<vmem>>, %arg13: memref<!tpu.dma_semaphore, #tpu.memory_space<semaphore_mem>>, %arg14: memref<!tpu.dma_semaphore, #tpu.memory_space<semaphore_mem>>) attributes {dimension_semantics = [#tpu.dimension_semantics<core_parallel>, #tpu.dimension_semantics<subcore_parallel>], iteration_bounds = array<i64: 2, 16>, scalar_prefetch = 0 : i64, scratch_operands = 10 : i64, tpu.core_type = #tpu.core_type<sc_vector_subcore>, window_params = [{transform_indices = #map}, {transform_indices = #map}, {transform_indices = #map}]} {
    %mul3A = arith.constant 2 : i32
    %mul3A_0 = arith.muli %arg1, %mul3A : i32
    %add3A = arith.addi %mul3A_0, %arg0 : i32
    %mul3A_1 = arith.constant 2 : i32
    %mul3A_2 = arith.muli %add3A, %mul3A_1 : i32
    %broadcast_in_dim3A = arith.constant 0.000000e+00 : f32
    %broadcast_in_dim3A_3 = vector.broadcast %broadcast_in_dim3A : f32 to vector<16xf32>
    %scan3A = arith.constant 0 : i32
    %scan3A_4 = arith.constant 0 : i32
    %scan3A_5 = arith.constant 640 : i32
    %scan3A_6 = arith.addi %scan3A_4, %scan3A_5 : i32
    %scan3A_7 = arith.constant 1 : i32
    scf.for %scan3A_38 = %scan3A_4 to %scan3A_6 step %scan3A_7  : i32 {
      %mul3A_39 = arith.constant 16 : i32
      %mul3A_40 = arith.muli %scan3A_38, %mul3A_39 : i32
      %swap3A = arith.index_cast %mul3A_40 : i32 to index
      %swap3A_41 = tpu.vector_load %arg11[%swap3A] {strides = array<i32>} : memref<10240xf32, #tpu.memory_space<vmem>>, vector<16xf32>,
      tpu.vector_store %arg11[%swap3A], %broadcast_in_dim3A_3 {strides = array<i32>} : memref<10240xf32, #tpu.memory_space<vmem>>, vector<16xf32>,
      %mul3A_42 = arith.constant 16 : i32
      %mul3A_43 = arith.muli %scan3A_38, %mul3A_42 : i32
      %swap3A_44 = arith.index_cast %mul3A_43 : i32 to index
      %swap3A_45 = tpu.vector_load %arg12[%swap3A_44] {strides = array<i32>} : memref<10240xf32, #tpu.memory_space<vmem>>, vector<16xf32>,
      tpu.vector_store %arg12[%swap3A_44], %broadcast_in_dim3A_3 {strides = array<i32>} : memref<10240xf32, #tpu.memory_space<vmem>>, vector<16xf32>,
    }
    %scan3A_8 = arith.constant 640 : i32
    %dma_start3A = arith.constant 0 : i32
    %dma_start3A_9 = tpu.memref_slice %arg3[%dma_start3A] : memref<163840xi32, #tpu.memory_space<hbm>> -> memref<4096xi32, #tpu.memory_space<hbm>>
    %dma_start3A_10 = arith.constant 0 : i32
    %dma_start3A_11 = tpu.memref_slice %arg3[%dma_start3A_10] : memref<163840xi32, #tpu.memory_space<hbm>> -> memref<4096xi32, #tpu.memory_space<hbm>>
    tpu.enqueue_dma source(%dma_start3A_11 : memref<4096xi32, #tpu.memory_space<hbm>>) target(%arg5 : memref<4096xi32, #tpu.memory_space<vmem>>) target_semaphore(%arg13 : memref<!tpu.dma_semaphore, #tpu.memory_space<semaphore_mem>>)
    %mul3A_12 = arith.constant 163840 : i32
    %mul3A_13 = arith.muli %mul3A_2, %mul3A_12 : i32
    %add3A_14 = arith.constant 0 : i32
    %add3A_15 = arith.addi %mul3A_13, %add3A_14 : i32
    %dma_start3A_16 = tpu.memref_slice %arg2[%add3A_15] : memref<10485760xf32, #tpu.memory_space<hbm>> -> memref<4096xf32, #tpu.memory_space<hbm>>
    %dma_start3A_17 = tpu.memref_slice %arg2[%add3A_15] : memref<10485760xf32, #tpu.memory_space<hbm>> -> memref<4096xf32, #tpu.memory_space<hbm>>
    tpu.enqueue_dma source(%dma_start3A_17 : memref<4096xf32, #tpu.memory_space<hbm>>) target(%arg6 : memref<4096xf32, #tpu.memory_space<vmem>>) target_semaphore(%arg13 : memref<!tpu.dma_semaphore, #tpu.memory_space<semaphore_mem>>)
    %add3A_18 = arith.constant 1 : i32
    %add3A_19 = arith.addi %mul3A_2, %add3A_18 : i32
    %mul3A_20 = arith.constant 163840 : i32
    %mul3A_21 = arith.muli %add3A_19, %mul3A_20 : i32
    %add3A_22 = arith.constant 0 : i32
    %add3A_23 = arith.addi %mul3A_21, %add3A_22 : i32
    %dma_start3A_24 = tpu.memref_slice %arg2[%add3A_23] : memref<10485760xf32, #tpu.memory_space<hbm>> -> memref<4096xf32, #tpu.memory_space<hbm>>
    %dma_start3A_25 = tpu.memref_slice %arg2[%add3A_23] : memref<10485760xf32, #tpu.memory_space<hbm>> -> memref<4096xf32, #tpu.memory_space<hbm>>
    tpu.enqueue_dma source(%dma_start3A_25 : memref<4096xf32, #tpu.memory_space<hbm>>) target(%arg7 : memref<4096xf32, #tpu.memory_space<vmem>>) target_semaphore(%arg13 : memref<!tpu.dma_semaphore, #tpu.memory_space<semaphore_mem>>)
    %scan3A_26 = arith.constant 0 : i32
    %scan3A_27 = arith.constant 0 : i32
    %scan3A_28 = arith.constant 20 : i32
    %scan3A_29 = arith.addi %scan3A_27, %scan3A_28 : i32
    %scan3A_30 = arith.constant 1 : i32
    scf.for %scan3A_38 = %scan3A_27 to %scan3A_29 step %scan3A_30  : i32 {
      %mul3A_39 = arith.constant 2 : i32
      %mul3A_40 = arith.muli %scan3A_38, %mul3A_39 : i32
      %add3A_41 = arith.constant 1 : i32
      %add3A_42 = arith.addi %mul3A_40, %add3A_41 : i32
      %mul3A_43 = arith.constant 4096 : i32
      %mul3A_44 = arith.muli %add3A_42, %mul3A_43 : i32
      %dma_start3A_45 = tpu.memref_slice %arg3[%mul3A_44] : memref<163840xi32, #tpu.memory_space<hbm>> -> memref<4096xi32, #tpu.memory_space<hbm>>
      %dma_start3A_46 = tpu.memref_slice %arg3[%mul3A_44] : memref<163840xi32, #tpu.memory_space<hbm>> -> memref<4096xi32, #tpu.memory_space<hbm>>
      tpu.enqueue_dma source(%dma_start3A_46 : memref<4096xi32, #tpu.memory_space<hbm>>) target(%arg8 : memref<4096xi32, #tpu.memory_space<vmem>>) target_semaphore(%arg14 : memref<!tpu.dma_semaphore, #tpu.memory_space<semaphore_mem>>)
      %mul3A_47 = arith.constant 163840 : i32
      %mul3A_48 = arith.muli %mul3A_2, %mul3A_47 : i32
      %add3A_49 = arith.addi %mul3A_48, %mul3A_44 : i32
      %dma_start3A_50 = tpu.memref_slice %arg2[%add3A_49] : memref<10485760xf32, #tpu.memory_space<hbm>> -> memref<4096xf32, #tpu.memory_space<hbm>>
      %dma_start3A_51 = tpu.memref_slice %arg2[%add3A_49] : memref<10485760xf32, #tpu.memory_space<hbm>> -> memref<4096xf32, #tpu.memory_space<hbm>>
      tpu.enqueue_dma source(%dma_start3A_51 : memref<4096xf32, #tpu.memory_space<hbm>>) target(%arg9 : memref<4096xf32, #tpu.memory_space<vmem>>) target_semaphore(%arg14 : memref<!tpu.dma_semaphore, #tpu.memory_space<semaphore_mem>>)
      %add3A_52 = arith.constant 1 : i32
      %add3A_53 = arith.addi %mul3A_2, %add3A_52 : i32
      %mul3A_54 = arith.constant 163840 : i32
      %mul3A_55 = arith.muli %add3A_53, %mul3A_54 : i32
      %add3A_56 = arith.addi %mul3A_55, %mul3A_44 : i32
      %dma_start3A_57 = tpu.memref_slice %arg2[%add3A_56] : memref<10485760xf32, #tpu.memory_space<hbm>> -> memref<4096xf32, #tpu.memory_space<hbm>>
      %dma_start3A_58 = tpu.memref_slice %arg2[%add3A_56] : memref<10485760xf32, #tpu.memory_space<hbm>> -> memref<4096xf32, #tpu.memory_space<hbm>>
      tpu.enqueue_dma source(%dma_start3A_58 : memref<4096xf32, #tpu.memory_space<hbm>>) target(%arg10 : memref<4096xf32, #tpu.memory_space<vmem>>) target_semaphore(%arg14 : memref<!tpu.dma_semaphore, #tpu.memory_space<semaphore_mem>>)
      %dma_wait3A = arith.constant 0 : i32
      %dma_wait3A_59 = tpu.memref_slice %arg3[%dma_wait3A] : memref<163840xi32, #tpu.memory_space<hbm>> -> memref<4096xi32, #tpu.memory_space<hbm>>
      %dma_wait3A_60 = arith.constant 0 : i32
      %dma_wait3A_61 = tpu.memref_slice %arg3[%dma_wait3A_60] : memref<163840xi32, #tpu.memory_space<hbm>> -> memref<4096xi32, #tpu.memory_space<hbm>>
      tpu.wait_dma2 semaphore(%arg13 : memref<!tpu.dma_semaphore, #tpu.memory_space<semaphore_mem>>) src(%dma_wait3A_61 : memref<4096xi32, #tpu.memory_space<hbm>>) dst(%arg5 : memref<4096xi32, #tpu.memory_space<vmem>>)
      %dma_wait3A_62 = arith.constant 0 : i32
      %dma_wait3A_63 = tpu.memref_slice %arg2[%dma_wait3A_62] : memref<10485760xf32, #tpu.memory_space<hbm>> -> memref<4096xf32, #tpu.memory_space<hbm>>
      %dma_wait3A_64 = arith.constant 0 : i32
      %dma_wait3A_65 = tpu.memref_slice %arg2[%dma_wait3A_64] : memref<10485760xf32, #tpu.memory_space<hbm>> -> memref<4096xf32, #tpu.memory_space<hbm>>
      tpu.wait_dma2 semaphore(%arg13 : memref<!tpu.dma_semaphore, #tpu.memory_space<semaphore_mem>>) src(%dma_wait3A_65 : memref<4096xf32, #tpu.memory_space<hbm>>) dst(%arg6 : memref<4096xf32, #tpu.memory_space<vmem>>)
      %dma_wait3A_66 = arith.constant 0 : i32
      %dma_wait3A_67 = tpu.memref_slice %arg2[%dma_wait3A_66] : memref<10485760xf32, #tpu.memory_space<hbm>> -> memref<4096xf32, #tpu.memory_space<hbm>>
      %dma_wait3A_68 = arith.constant 0 : i32
      %dma_wait3A_69 = tpu.memref_slice %arg2[%dma_wait3A_68] : memref<10485760xf32, #tpu.memory_space<hbm>> -> memref<4096xf32, #tpu.memory_space<hbm>>
      tpu.wait_dma2 semaphore(%arg13 : memref<!tpu.dma_semaphore, #tpu.memory_space<semaphore_mem>>) src(%dma_wait3A_69 : memref<4096xf32, #tpu.memory_space<hbm>>) dst(%arg7 : memref<4096xf32, #tpu.memory_space<vmem>>)
      %scan3A_70 = arith.constant 0 : i32
      %scan3A_71 = arith.constant 0 : i32
      %scan3A_72 = arith.constant 64 : i32
      %scan3A_73 = arith.addi %scan3A_71, %scan3A_72 : i32
      %scan3A_74 = arith.constant 1 : i32
      scf.for %scan3A_98 = %scan3A_71 to %scan3A_73 step %scan3A_74  : i32 {
        %mul3A_99 = arith.constant 64 : i32
        %mul3A_100 = arith.muli %scan3A_98, %mul3A_99 : i32
        %add3A_101 = arith.constant 0 : i32
        %add3A_102 = arith.addi %mul3A_100, %add3A_101 : i32
        %get3A = arith.index_cast %add3A_102 : i32 to index
        %get3A_103 = tpu.vector_load %arg5[%get3A] {strides = array<i32>} : memref<4096xi32, #tpu.memory_space<vmem>>, vector<16xi32>,
        %get3A_104 = arith.index_cast %add3A_102 : i32 to index
        %get3A_105 = tpu.vector_load %arg6[%get3A_104] {strides = array<i32>} : memref<4096xf32, #tpu.memory_space<vmem>>, vector<16xf32>,
        tpu.vector_store_idx %arg11[%get3A_103], %get3A_105 {add = true} : memref<10240xf32, #tpu.memory_space<vmem>>[vector<16xi32>], vector<16xf32>,
        %get3A_106 = arith.index_cast %add3A_102 : i32 to index
        %get3A_107 = tpu.vector_load %arg7[%get3A_106] {strides = array<i32>} : memref<4096xf32, #tpu.memory_space<vmem>>, vector<16xf32>,
        tpu.vector_store_idx %arg12[%get3A_103], %get3A_107 {add = true} : memref<10240xf32, #tpu.memory_space<vmem>>[vector<16xi32>], vector<16xf32>,
        %mul3A_108 = arith.constant 64 : i32
        %mul3A_109 = arith.muli %scan3A_98, %mul3A_108 : i32
        %add3A_110 = arith.constant 16 : i32
        %add3A_111 = arith.addi %mul3A_109, %add3A_110 : i32
        %get3A_112 = arith.index_cast %add3A_111 : i32 to index
        %get3A_113 = tpu.vector_load %arg5[%get3A_112] {strides = array<i32>} : memref<4096xi32, #tpu.memory_space<vmem>>, vector<16xi32>,
        %get3A_114 = arith.index_cast %add3A_111 : i32 to index
        %get3A_115 = tpu.vector_load %arg6[%get3A_114] {strides = array<i32>} : memref<4096xf32, #tpu.memory_space<vmem>>, vector<16xf32>,
        tpu.vector_store_idx %arg11[%get3A_113], %get3A_115 {add = true} : memref<10240xf32, #tpu.memory_space<vmem>>[vector<16xi32>], vector<16xf32>,
        %get3A_116 = arith.index_cast %add3A_111 : i32 to index
        %get3A_117 = tpu.vector_load %arg7[%get3A_116] {strides = array<i32>} : memref<4096xf32, #tpu.memory_space<vmem>>, vector<16xf32>,
        tpu.vector_store_idx %arg12[%get3A_113], %get3A_117 {add = true} : memref<10240xf32, #tpu.memory_space<vmem>>[vector<16xi32>], vector<16xf32>,
        %mul3A_118 = arith.constant 64 : i32
        %mul3A_119 = arith.muli %scan3A_98, %mul3A_118 : i32
        %add3A_120 = arith.constant 32 : i32
        %add3A_121 = arith.addi %mul3A_119, %add3A_120 : i32
        %get3A_122 = arith.index_cast %add3A_121 : i32 to index
        %get3A_123 = tpu.vector_load %arg5[%get3A_122] {strides = array<i32>} : memref<4096xi32, #tpu.memory_space<vmem>>, vector<16xi32>,
        %get3A_124 = arith.index_cast %add3A_121 : i32 to index
        %get3A_125 = tpu.vector_load %arg6[%get3A_124] {strides = array<i32>} : memref<4096xf32, #tpu.memory_space<vmem>>, vector<16xf32>,
        tpu.vector_store_idx %arg11[%get3A_123], %get3A_125 {add = true} : memref<10240xf32, #tpu.memory_space<vmem>>[vector<16xi32>], vector<16xf32>,
        %get3A_126 = arith.index_cast %add3A_121 : i32 to index
        %get3A_127 = tpu.vector_load %arg7[%get3A_126] {strides = array<i32>} : memref<4096xf32, #tpu.memory_space<vmem>>, vector<16xf32>,
        tpu.vector_store_idx %arg12[%get3A_123], %get3A_127 {add = true} : memref<10240xf32, #tpu.memory_space<vmem>>[vector<16xi32>], vector<16xf32>,
        %mul3A_128 = arith.constant 64 : i32
        %mul3A_129 = arith.muli %scan3A_98, %mul3A_128 : i32
        %add3A_130 = arith.constant 48 : i32
        %add3A_131 = arith.addi %mul3A_129, %add3A_130 : i32
        %get3A_132 = arith.index_cast %add3A_131 : i32 to index
        %get3A_133 = tpu.vector_load %arg5[%get3A_132] {strides = array<i32>} : memref<4096xi32, #tpu.memory_space<vmem>>, vector<16xi32>,
        %get3A_134 = arith.index_cast %add3A_131 : i32 to index
        %get3A_135 = tpu.vector_load %arg6[%get3A_134] {strides = array<i32>} : memref<4096xf32, #tpu.memory_space<vmem>>, vector<16xf32>,
        tpu.vector_store_idx %arg11[%get3A_133], %get3A_135 {add = true} : memref<10240xf32, #tpu.memory_space<vmem>>[vector<16xi32>], vector<16xf32>,
        %get3A_136 = arith.index_cast %add3A_131 : i32 to index
        %get3A_137 = tpu.vector_load %arg7[%get3A_136] {strides = array<i32>} : memref<4096xf32, #tpu.memory_space<vmem>>, vector<16xf32>,
        tpu.vector_store_idx %arg12[%get3A_133], %get3A_137 {add = true} : memref<10240xf32, #tpu.memory_space<vmem>>[vector<16xi32>], vector<16xf32>,
      }
      %scan3A_75 = arith.constant 64 : i32
      %add3A_76 = arith.constant 2 : i32
      %add3A_77 = arith.addi %mul3A_40, %add3A_76 : i32
      %lt3A = arith.constant 40 : i32
      %lt3A_78 = arith.cmpi slt, %add3A_77, %lt3A : i32
      %convert_element_type3A = arith.extui %lt3A_78 : i1 to i32
      %cond3A = arith.constant 0 : i32
      %cond3A_79 = arith.cmpi ne, %convert_element_type3A, %cond3A : i32
      scf.if %cond3A_79 {
        %add3A_98 = arith.constant 2 : i32
        %add3A_99 = arith.addi %mul3A_40, %add3A_98 : i32
        %mul3A_100 = arith.constant 4096 : i32
        %mul3A_101 = arith.muli %add3A_99, %mul3A_100 : i32
        %dma_start3A_102 = tpu.memref_slice %arg3[%mul3A_101] : memref<163840xi32, #tpu.memory_space<hbm>> -> memref<4096xi32, #tpu.memory_space<hbm>>
        %dma_start3A_103 = tpu.memref_slice %arg3[%mul3A_101] : memref<163840xi32, #tpu.memory_space<hbm>> -> memref<4096xi32, #tpu.memory_space<hbm>>
        tpu.enqueue_dma source(%dma_start3A_103 : memref<4096xi32, #tpu.memory_space<hbm>>) target(%arg5 : memref<4096xi32, #tpu.memory_space<vmem>>) target_semaphore(%arg13 : memref<!tpu.dma_semaphore, #tpu.memory_space<semaphore_mem>>)
        %mul3A_104 = arith.constant 163840 : i32
        %mul3A_105 = arith.muli %mul3A_2, %mul3A_104 : i32
        %add3A_106 = arith.addi %mul3A_105, %mul3A_101 : i32
        %dma_start3A_107 = tpu.memref_slice %arg2[%add3A_106] : memref<10485760xf32, #tpu.memory_space<hbm>> -> memref<4096xf32, #tpu.memory_space<hbm>>
        %dma_start3A_108 = tpu.memref_slice %arg2[%add3A_106] : memref<10485760xf32, #tpu.memory_space<hbm>> -> memref<4096xf32, #tpu.memory_space<hbm>>
        tpu.enqueue_dma source(%dma_start3A_108 : memref<4096xf32, #tpu.memory_space<hbm>>) target(%arg6 : memref<4096xf32, #tpu.memory_space<vmem>>) target_semaphore(%arg13 : memref<!tpu.dma_semaphore, #tpu.memory_space<semaphore_mem>>)
        %add3A_109 = arith.constant 1 : i32
        %add3A_110 = arith.addi %mul3A_2, %add3A_109 : i32
        %mul3A_111 = arith.constant 163840 : i32
        %mul3A_112 = arith.muli %add3A_110, %mul3A_111 : i32
        %add3A_113 = arith.addi %mul3A_112, %mul3A_101 : i32
        %dma_start3A_114 = tpu.memref_slice %arg2[%add3A_113] : memref<10485760xf32, #tpu.memory_space<hbm>> -> memref<4096xf32, #tpu.memory_space<hbm>>
        %dma_start3A_115 = tpu.memref_slice %arg2[%add3A_113] : memref<10485760xf32, #tpu.memory_space<hbm>> -> memref<4096xf32, #tpu.memory_space<hbm>>
        tpu.enqueue_dma source(%dma_start3A_115 : memref<4096xf32, #tpu.memory_space<hbm>>) target(%arg7 : memref<4096xf32, #tpu.memory_space<vmem>>) target_semaphore(%arg13 : memref<!tpu.dma_semaphore, #tpu.memory_space<semaphore_mem>>)
      } else {
      }
      %dma_wait3A_80 = arith.constant 0 : i32
      %dma_wait3A_81 = tpu.memref_slice %arg3[%dma_wait3A_80] : memref<163840xi32, #tpu.memory_space<hbm>> -> memref<4096xi32, #tpu.memory_space<hbm>>
      %dma_wait3A_82 = arith.constant 0 : i32
      %dma_wait3A_83 = tpu.memref_slice %arg3[%dma_wait3A_82] : memref<163840xi32, #tpu.memory_space<hbm>> -> memref<4096xi32, #tpu.memory_space<hbm>>
      tpu.wait_dma2 semaphore(%arg14 : memref<!tpu.dma_semaphore, #tpu.memory_space<semaphore_mem>>) src(%dma_wait3A_83 : memref<4096xi32, #tpu.memory_space<hbm>>) dst(%arg8 : memref<4096xi32, #tpu.memory_space<vmem>>)
      %dma_wait3A_84 = arith.constant 0 : i32
      %dma_wait3A_85 = tpu.memref_slice %arg2[%dma_wait3A_84] : memref<10485760xf32, #tpu.memory_space<hbm>> -> memref<4096xf32, #tpu.memory_space<hbm>>
      %dma_wait3A_86 = arith.constant 0 : i32
      %dma_wait3A_87 = tpu.memref_slice %arg2[%dma_wait3A_86] : memref<10485760xf32, #tpu.memory_space<hbm>> -> memref<4096xf32, #tpu.memory_space<hbm>>
      tpu.wait_dma2 semaphore(%arg14 : memref<!tpu.dma_semaphore, #tpu.memory_space<semaphore_mem>>) src(%dma_wait3A_87 : memref<4096xf32, #tpu.memory_space<hbm>>) dst(%arg9 : memref<4096xf32, #tpu.memory_space<vmem>>)
      %dma_wait3A_88 = arith.constant 0 : i32
      %dma_wait3A_89 = tpu.memref_slice %arg2[%dma_wait3A_88] : memref<10485760xf32, #tpu.memory_space<hbm>> -> memref<4096xf32, #tpu.memory_space<hbm>>
      %dma_wait3A_90 = arith.constant 0 : i32
      %dma_wait3A_91 = tpu.memref_slice %arg2[%dma_wait3A_90] : memref<10485760xf32, #tpu.memory_space<hbm>> -> memref<4096xf32, #tpu.memory_space<hbm>>
      tpu.wait_dma2 semaphore(%arg14 : memref<!tpu.dma_semaphore, #tpu.memory_space<semaphore_mem>>) src(%dma_wait3A_91 : memref<4096xf32, #tpu.memory_space<hbm>>) dst(%arg10 : memref<4096xf32, #tpu.memory_space<vmem>>)
      %scan3A_92 = arith.constant 0 : i32
      %scan3A_93 = arith.constant 0 : i32
      %scan3A_94 = arith.constant 64 : i32
      %scan3A_95 = arith.addi %scan3A_93, %scan3A_94 : i32
      %scan3A_96 = arith.constant 1 : i32
      scf.for %scan3A_98 = %scan3A_93 to %scan3A_95 step %scan3A_96  : i32 {
        %mul3A_99 = arith.constant 64 : i32
        %mul3A_100 = arith.muli %scan3A_98, %mul3A_99 : i32
        %add3A_101 = arith.constant 0 : i32
        %add3A_102 = arith.addi %mul3A_100, %add3A_101 : i32
        %get3A = arith.index_cast %add3A_102 : i32 to index
        %get3A_103 = tpu.vector_load %arg8[%get3A] {strides = array<i32>} : memref<4096xi32, #tpu.memory_space<vmem>>, vector<16xi32>,
        %get3A_104 = arith.index_cast %add3A_102 : i32 to index
        %get3A_105 = tpu.vector_load %arg9[%get3A_104] {strides = array<i32>} : memref<4096xf32, #tpu.memory_space<vmem>>, vector<16xf32>,
        tpu.vector_store_idx %arg11[%get3A_103], %get3A_105 {add = true} : memref<10240xf32, #tpu.memory_space<vmem>>[vector<16xi32>], vector<16xf32>,
        %get3A_106 = arith.index_cast %add3A_102 : i32 to index
        %get3A_107 = tpu.vector_load %arg10[%get3A_106] {strides = array<i32>} : memref<4096xf32, #tpu.memory_space<vmem>>, vector<16xf32>,
        tpu.vector_store_idx %arg12[%get3A_103], %get3A_107 {add = true} : memref<10240xf32, #tpu.memory_space<vmem>>[vector<16xi32>], vector<16xf32>,
        %mul3A_108 = arith.constant 64 : i32
        %mul3A_109 = arith.muli %scan3A_98, %mul3A_108 : i32
        %add3A_110 = arith.constant 16 : i32
        %add3A_111 = arith.addi %mul3A_109, %add3A_110 : i32
        %get3A_112 = arith.index_cast %add3A_111 : i32 to index
        %get3A_113 = tpu.vector_load %arg8[%get3A_112] {strides = array<i32>} : memref<4096xi32, #tpu.memory_space<vmem>>, vector<16xi32>,
        %get3A_114 = arith.index_cast %add3A_111 : i32 to index
        %get3A_115 = tpu.vector_load %arg9[%get3A_114] {strides = array<i32>} : memref<4096xf32, #tpu.memory_space<vmem>>, vector<16xf32>,
        tpu.vector_store_idx %arg11[%get3A_113], %get3A_115 {add = true} : memref<10240xf32, #tpu.memory_space<vmem>>[vector<16xi32>], vector<16xf32>,
        %get3A_116 = arith.index_cast %add3A_111 : i32 to index
        %get3A_117 = tpu.vector_load %arg10[%get3A_116] {strides = array<i32>} : memref<4096xf32, #tpu.memory_space<vmem>>, vector<16xf32>,
        tpu.vector_store_idx %arg12[%get3A_113], %get3A_117 {add = true} : memref<10240xf32, #tpu.memory_space<vmem>>[vector<16xi32>], vector<16xf32>,
        %mul3A_118 = arith.constant 64 : i32
        %mul3A_119 = arith.muli %scan3A_98, %mul3A_118 : i32
        %add3A_120 = arith.constant 32 : i32
        %add3A_121 = arith.addi %mul3A_119, %add3A_120 : i32
        %get3A_122 = arith.index_cast %add3A_121 : i32 to index
        %get3A_123 = tpu.vector_load %arg8[%get3A_122] {strides = array<i32>} : memref<4096xi32, #tpu.memory_space<vmem>>, vector<16xi32>,
        %get3A_124 = arith.index_cast %add3A_121 : i32 to index
        %get3A_125 = tpu.vector_load %arg9[%get3A_124] {strides = array<i32>} : memref<4096xf32, #tpu.memory_space<vmem>>, vector<16xf32>,
        tpu.vector_store_idx %arg11[%get3A_123], %get3A_125 {add = true} : memref<10240xf32, #tpu.memory_space<vmem>>[vector<16xi32>], vector<16xf32>,
        %get3A_126 = arith.index_cast %add3A_121 : i32 to index
        %get3A_127 = tpu.vector_load %arg10[%get3A_126] {strides = array<i32>} : memref<4096xf32, #tpu.memory_space<vmem>>, vector<16xf32>,
        tpu.vector_store_idx %arg12[%get3A_123], %get3A_127 {add = true} : memref<10240xf32, #tpu.memory_space<vmem>>[vector<16xi32>], vector<16xf32>,
        %mul3A_128 = arith.constant 64 : i32
        %mul3A_129 = arith.muli %scan3A_98, %mul3A_128 : i32
        %add3A_130 = arith.constant 48 : i32
        %add3A_131 = arith.addi %mul3A_129, %add3A_130 : i32
        %get3A_132 = arith.index_cast %add3A_131 : i32 to index
        %get3A_133 = tpu.vector_load %arg8[%get3A_132] {strides = array<i32>} : memref<4096xi32, #tpu.memory_space<vmem>>, vector<16xi32>,
        %get3A_134 = arith.index_cast %add3A_131 : i32 to index
        %get3A_135 = tpu.vector_load %arg9[%get3A_134] {strides = array<i32>} : memref<4096xf32, #tpu.memory_space<vmem>>, vector<16xf32>,
        tpu.vector_store_idx %arg11[%get3A_133], %get3A_135 {add = true} : memref<10240xf32, #tpu.memory_space<vmem>>[vector<16xi32>], vector<16xf32>,
        %get3A_136 = arith.index_cast %add3A_131 : i32 to index
        %get3A_137 = tpu.vector_load %arg10[%get3A_136] {strides = array<i32>} : memref<4096xf32, #tpu.memory_space<vmem>>, vector<16xf32>,
        tpu.vector_store_idx %arg12[%get3A_133], %get3A_137 {add = true} : memref<10240xf32, #tpu.memory_space<vmem>>[vector<16xi32>], vector<16xf32>,
      }
      %scan3A_97 = arith.constant 64 : i32
    }
    %scan3A_31 = arith.constant 20 : i32
    %mul3A_32 = arith.constant 10240 : i32
    %mul3A_33 = arith.muli %mul3A_2, %mul3A_32 : i32
    "tpu.region"() ({
      %run_scoped3A = tpu.sem_alloc : memref<!tpu.dma_semaphore, #tpu.memory_space<semaphore_mem>>
      %dma_start3A_38 = tpu.memref_slice %arg4[%mul3A_33] : memref<655360xf32, #tpu.memory_space<hbm>> -> memref<10240xf32, #tpu.memory_space<hbm>>
      %dma_start3A_39 = tpu.memref_slice %arg4[%mul3A_33] : memref<655360xf32, #tpu.memory_space<hbm>> -> memref<10240xf32, #tpu.memory_space<hbm>>
      tpu.enqueue_dma source(%arg11 : memref<10240xf32, #tpu.memory_space<vmem>>) target(%dma_start3A_39 : memref<10240xf32, #tpu.memory_space<hbm>>) target_semaphore(%run_scoped3A : memref<!tpu.dma_semaphore, #tpu.memory_space<semaphore_mem>>)
      %dma_wait3A = tpu.memref_slice %arg4[%mul3A_33] : memref<655360xf32, #tpu.memory_space<hbm>> -> memref<10240xf32, #tpu.memory_space<hbm>>
      %dma_wait3A_40 = tpu.memref_slice %arg4[%mul3A_33] : memref<655360xf32, #tpu.memory_space<hbm>> -> memref<10240xf32, #tpu.memory_space<hbm>>
      tpu.wait_dma2 semaphore(%run_scoped3A : memref<!tpu.dma_semaphore, #tpu.memory_space<semaphore_mem>>) src(%arg11 : memref<10240xf32, #tpu.memory_space<vmem>>) dst(%dma_wait3A_40 : memref<10240xf32, #tpu.memory_space<hbm>>)
      tpu.yield
    }) : () -> ()
    %add3A_34 = arith.constant 1 : i32
    %add3A_35 = arith.addi %mul3A_2, %add3A_34 : i32
    %mul3A_36 = arith.constant 10240 : i32
    %mul3A_37 = arith.muli %add3A_35, %mul3A_36 : i32
    "tpu.region"() ({
      %run_scoped3A = tpu.sem_alloc : memref<!tpu.dma_semaphore, #tpu.memory_space<semaphore_mem>>
      %dma_start3A_38 = tpu.memref_slice %arg4[%mul3A_37] : memref<655360xf32, #tpu.memory_space<hbm>> -> memref<10240xf32, #tpu.memory_space<hbm>>
      %dma_start3A_39 = tpu.memref_slice %arg4[%mul3A_37] : memref<655360xf32, #tpu.memory_space<hbm>> -> memref<10240xf32, #tpu.memory_space<hbm>>
      tpu.enqueue_dma source(%arg12 : memref<10240xf32, #tpu.memory_space<vmem>>) target(%dma_start3A_39 : memref<10240xf32, #tpu.memory_space<hbm>>) target_semaphore(%run_scoped3A : memref<!tpu.dma_semaphore, #tpu.memory_space<semaphore_mem>>)
      %dma_wait3A = tpu.memref_slice %arg4[%mul3A_37] : memref<655360xf32, #tpu.memory_space<hbm>> -> memref<10240xf32, #tpu.memory_space<hbm>>
      %dma_wait3A_40 = tpu.memref_slice %arg4[%mul3A_37] : memref<655360xf32, #tpu.memory_space<hbm>> -> memref<10240xf32, #tpu.memory_space<hbm>>
      tpu.wait_dma2 semaphore(%run_scoped3A : memref<!tpu.dma_semaphore, #tpu.memory_space<semaphore_mem>>) src(%arg12 : memref<10240xf32, #tpu.memory_space<vmem>>) dst(%dma_wait3A_40 : memref<10240xf32, #tpu.memory_space<hbm>>)
      tpu.yield
    }) : () -> ()
    return
  }
}

#map = affine_map<(d0, d1) -> (0)>
module attributes {stable_mosaic.version = 14 : i64} {
  func.func @_gather_body(%arg0: i32, %arg1: i32, %arg2: memref<40960xf32, #tpu.memory_space<hbm>>, %arg3: memref<10240xi32, #tpu.memory_space<hbm>>, %arg4: memref<163840xi32, #tpu.memory_space<hbm>>, %arg5: memref<163840xi32, #tpu.memory_space<hbm>>, %arg6: memref<163840xf32, #tpu.memory_space<hbm>>, %arg7: memref<163840xf32, #tpu.memory_space<hbm>>, %arg8: memref<163840xf32, #tpu.memory_space<hbm>>, %arg9: memref<163840xi32, #tpu.memory_space<hbm>>, %arg10: memref<40960xf32, #tpu.memory_space<vmem>>, %arg11: memref<10240xi32, #tpu.memory_space<vmem>>, %arg12: memref<5120xi32, #tpu.memory_space<vmem>>, %arg13: memref<5120xi32, #tpu.memory_space<vmem>>, %arg14: memref<5120xf32, #tpu.memory_space<vmem>>, %arg15: memref<5120xf32, #tpu.memory_space<vmem>>, %arg16: memref<5120xf32, #tpu.memory_space<vmem>>, %arg17: memref<5120xi32, #tpu.memory_space<vmem>>) attributes {dimension_semantics = [#tpu.dimension_semantics<core_parallel>, #tpu.dimension_semantics<subcore_parallel>], iteration_bounds = array<i64: 2, 16>, scalar_prefetch = 0 : i64, scratch_operands = 8 : i64, tpu.core_type = #tpu.core_type<sc_vector_subcore>, window_params = [{transform_indices = #map}, {transform_indices = #map}, {transform_indices = #map}, {transform_indices = #map}, {transform_indices = #map}, {transform_indices = #map}, {transform_indices = #map}, {transform_indices = #map}]} {
    %mul3A = arith.constant 2 : i32
    %mul3A_0 = arith.muli %arg1, %mul3A : i32
    %add3A = arith.addi %mul3A_0, %arg0 : i32
    %mul3A_1 = arith.constant 5120 : i32
    %mul3A_2 = arith.muli %add3A, %mul3A_1 : i32
    "tpu.region"() ({
      %run_scoped3A = tpu.sem_alloc : memref<!tpu.dma_semaphore, #tpu.memory_space<semaphore_mem>>
      tpu.enqueue_dma source(%arg2 : memref<40960xf32, #tpu.memory_space<hbm>>) target(%arg10 : memref<40960xf32, #tpu.memory_space<vmem>>) target_semaphore(%run_scoped3A : memref<!tpu.dma_semaphore, #tpu.memory_space<semaphore_mem>>)
      tpu.wait_dma2 semaphore(%run_scoped3A : memref<!tpu.dma_semaphore, #tpu.memory_space<semaphore_mem>>) src(%arg2 : memref<40960xf32, #tpu.memory_space<hbm>>) dst(%arg10 : memref<40960xf32, #tpu.memory_space<vmem>>)
      tpu.yield
    }) : () -> ()
    "tpu.region"() ({
      %run_scoped3A = tpu.sem_alloc : memref<!tpu.dma_semaphore, #tpu.memory_space<semaphore_mem>>
      tpu.enqueue_dma source(%arg3 : memref<10240xi32, #tpu.memory_space<hbm>>) target(%arg11 : memref<10240xi32, #tpu.memory_space<vmem>>) target_semaphore(%run_scoped3A : memref<!tpu.dma_semaphore, #tpu.memory_space<semaphore_mem>>)
      tpu.wait_dma2 semaphore(%run_scoped3A : memref<!tpu.dma_semaphore, #tpu.memory_space<semaphore_mem>>) src(%arg3 : memref<10240xi32, #tpu.memory_space<hbm>>) dst(%arg11 : memref<10240xi32, #tpu.memory_space<vmem>>)
      tpu.yield
    }) : () -> ()
    "tpu.region"() ({
      %run_scoped3A = tpu.sem_alloc : memref<!tpu.dma_semaphore, #tpu.memory_space<semaphore_mem>>
      %dma_start3A = tpu.memref_slice %arg4[%mul3A_2] : memref<163840xi32, #tpu.memory_space<hbm>> -> memref<5120xi32, #tpu.memory_space<hbm>>
      %dma_start3A_8 = tpu.memref_slice %arg4[%mul3A_2] : memref<163840xi32, #tpu.memory_space<hbm>> -> memref<5120xi32, #tpu.memory_space<hbm>>
      tpu.enqueue_dma source(%dma_start3A_8 : memref<5120xi32, #tpu.memory_space<hbm>>) target(%arg12 : memref<5120xi32, #tpu.memory_space<vmem>>) target_semaphore(%run_scoped3A : memref<!tpu.dma_semaphore, #tpu.memory_space<semaphore_mem>>)
      %dma_wait3A = tpu.memref_slice %arg4[%mul3A_2] : memref<163840xi32, #tpu.memory_space<hbm>> -> memref<5120xi32, #tpu.memory_space<hbm>>
      %dma_wait3A_9 = tpu.memref_slice %arg4[%mul3A_2] : memref<163840xi32, #tpu.memory_space<hbm>> -> memref<5120xi32, #tpu.memory_space<hbm>>
      tpu.wait_dma2 semaphore(%run_scoped3A : memref<!tpu.dma_semaphore, #tpu.memory_space<semaphore_mem>>) src(%dma_wait3A_9 : memref<5120xi32, #tpu.memory_space<hbm>>) dst(%arg12 : memref<5120xi32, #tpu.memory_space<vmem>>)
      tpu.yield
    }) : () -> ()
    "tpu.region"() ({
      %run_scoped3A = tpu.sem_alloc : memref<!tpu.dma_semaphore, #tpu.memory_space<semaphore_mem>>
      %dma_start3A = tpu.memref_slice %arg5[%mul3A_2] : memref<163840xi32, #tpu.memory_space<hbm>> -> memref<5120xi32, #tpu.memory_space<hbm>>
      %dma_start3A_8 = tpu.memref_slice %arg5[%mul3A_2] : memref<163840xi32, #tpu.memory_space<hbm>> -> memref<5120xi32, #tpu.memory_space<hbm>>
      tpu.enqueue_dma source(%dma_start3A_8 : memref<5120xi32, #tpu.memory_space<hbm>>) target(%arg13 : memref<5120xi32, #tpu.memory_space<vmem>>) target_semaphore(%run_scoped3A : memref<!tpu.dma_semaphore, #tpu.memory_space<semaphore_mem>>)
      %dma_wait3A = tpu.memref_slice %arg5[%mul3A_2] : memref<163840xi32, #tpu.memory_space<hbm>> -> memref<5120xi32, #tpu.memory_space<hbm>>
      %dma_wait3A_9 = tpu.memref_slice %arg5[%mul3A_2] : memref<163840xi32, #tpu.memory_space<hbm>> -> memref<5120xi32, #tpu.memory_space<hbm>>
      tpu.wait_dma2 semaphore(%run_scoped3A : memref<!tpu.dma_semaphore, #tpu.memory_space<semaphore_mem>>) src(%dma_wait3A_9 : memref<5120xi32, #tpu.memory_space<hbm>>) dst(%arg13 : memref<5120xi32, #tpu.memory_space<vmem>>)
      tpu.yield
    }) : () -> ()
    %scan3A = arith.constant 0 : i32
    %scan3A_3 = arith.constant 0 : i32
    %scan3A_4 = arith.constant 320 : i32
    %scan3A_5 = arith.addi %scan3A_3, %scan3A_4 : i32
    %scan3A_6 = arith.constant 1 : i32
    scf.for %scan3A_8 = %scan3A_3 to %scan3A_5 step %scan3A_6  : i32 {
      %mul3A_9 = arith.constant 16 : i32
      %mul3A_10 = arith.muli %scan3A_8, %mul3A_9 : i32
      %get3A = arith.index_cast %mul3A_10 : i32 to index
      %get3A_11 = tpu.vector_load %arg12[%get3A] {strides = array<i32>} : memref<5120xi32, #tpu.memory_space<vmem>>, vector<16xi32>,
      %get3A_12 = arith.index_cast %mul3A_10 : i32 to index
      %get3A_13 = tpu.vector_load %arg13[%get3A_12] {strides = array<i32>} : memref<5120xi32, #tpu.memory_space<vmem>>, vector<16xi32>,
      %mul3A_14 = arith.constant 4 : i32
      %mul3A_15 = vector.broadcast %mul3A_14 : i32 to vector<16xi32>
      %mul3A_16 = arith.muli %get3A_11, %mul3A_15 : vector<16xi32>
      %mul3A_17 = arith.constant 4 : i32
      %mul3A_18 = vector.broadcast %mul3A_17 : i32 to vector<16xi32>
      %mul3A_19 = arith.muli %get3A_13, %mul3A_18 : vector<16xi32>
      %gather3A = tpu.vector_load_idx %arg10[%mul3A_16] : memref<40960xf32, #tpu.memory_space<vmem>>[vector<16xi32>], vector<16xf32>,
      %gather3A_20 = tpu.vector_load_idx %arg10[%mul3A_19] : memref<40960xf32, #tpu.memory_space<vmem>>[vector<16xi32>], vector<16xf32>,
      %sub3A = arith.subf %gather3A, %gather3A_20 : vector<16xf32>
      %swap3A = arith.index_cast %mul3A_10 : i32 to index
      %swap3A_21 = tpu.vector_load %arg14[%swap3A] {strides = array<i32>} : memref<5120xf32, #tpu.memory_space<vmem>>, vector<16xf32>,
      tpu.vector_store %arg14[%swap3A], %sub3A {strides = array<i32>} : memref<5120xf32, #tpu.memory_space<vmem>>, vector<16xf32>,
      %add3A_22 = arith.constant 1 : i32
      %add3A_23 = vector.broadcast %add3A_22 : i32 to vector<16xi32>
      %add3A_24 = arith.addi %mul3A_16, %add3A_23 : vector<16xi32>
      %gather3A_25 = tpu.vector_load_idx %arg10[%add3A_24] : memref<40960xf32, #tpu.memory_space<vmem>>[vector<16xi32>], vector<16xf32>,
      %add3A_26 = arith.constant 1 : i32
      %add3A_27 = vector.broadcast %add3A_26 : i32 to vector<16xi32>
      %add3A_28 = arith.addi %mul3A_19, %add3A_27 : vector<16xi32>
      %gather3A_29 = tpu.vector_load_idx %arg10[%add3A_28] : memref<40960xf32, #tpu.memory_space<vmem>>[vector<16xi32>], vector<16xf32>,
      %sub3A_30 = arith.subf %gather3A_25, %gather3A_29 : vector<16xf32>
      %swap3A_31 = arith.index_cast %mul3A_10 : i32 to index
      %swap3A_32 = tpu.vector_load %arg15[%swap3A_31] {strides = array<i32>} : memref<5120xf32, #tpu.memory_space<vmem>>, vector<16xf32>,
      tpu.vector_store %arg15[%swap3A_31], %sub3A_30 {strides = array<i32>} : memref<5120xf32, #tpu.memory_space<vmem>>, vector<16xf32>,
      %add3A_33 = arith.constant 2 : i32
      %add3A_34 = vector.broadcast %add3A_33 : i32 to vector<16xi32>
      %add3A_35 = arith.addi %mul3A_16, %add3A_34 : vector<16xi32>
      %gather3A_36 = tpu.vector_load_idx %arg10[%add3A_35] : memref<40960xf32, #tpu.memory_space<vmem>>[vector<16xi32>], vector<16xf32>,
      %add3A_37 = arith.constant 2 : i32
      %add3A_38 = vector.broadcast %add3A_37 : i32 to vector<16xi32>
      %add3A_39 = arith.addi %mul3A_19, %add3A_38 : vector<16xi32>
      %gather3A_40 = tpu.vector_load_idx %arg10[%add3A_39] : memref<40960xf32, #tpu.memory_space<vmem>>[vector<16xi32>], vector<16xf32>,
      %sub3A_41 = arith.subf %gather3A_36, %gather3A_40 : vector<16xf32>
      %swap3A_42 = arith.index_cast %mul3A_10 : i32 to index
      %swap3A_43 = tpu.vector_load %arg16[%swap3A_42] {strides = array<i32>} : memref<5120xf32, #tpu.memory_space<vmem>>, vector<16xf32>,
      tpu.vector_store %arg16[%swap3A_42], %sub3A_41 {strides = array<i32>} : memref<5120xf32, #tpu.memory_space<vmem>>, vector<16xf32>,
      %gather3A_44 = tpu.vector_load_idx %arg11[%get3A_11] : memref<10240xi32, #tpu.memory_space<vmem>>[vector<16xi32>], vector<16xi32>,
      %swap3A_45 = arith.index_cast %mul3A_10 : i32 to index
      %swap3A_46 = tpu.vector_load %arg17[%swap3A_45] {strides = array<i32>} : memref<5120xi32, #tpu.memory_space<vmem>>, vector<16xi32>,
      tpu.vector_store %arg17[%swap3A_45], %gather3A_44 {strides = array<i32>} : memref<5120xi32, #tpu.memory_space<vmem>>, vector<16xi32>,
    }
    %scan3A_7 = arith.constant 320 : i32
    "tpu.region"() ({
      %run_scoped3A = tpu.sem_alloc : memref<!tpu.dma_semaphore, #tpu.memory_space<semaphore_mem>>
      %dma_start3A = tpu.memref_slice %arg6[%mul3A_2] : memref<163840xf32, #tpu.memory_space<hbm>> -> memref<5120xf32, #tpu.memory_space<hbm>>
      %dma_start3A_8 = tpu.memref_slice %arg6[%mul3A_2] : memref<163840xf32, #tpu.memory_space<hbm>> -> memref<5120xf32, #tpu.memory_space<hbm>>
      tpu.enqueue_dma source(%arg14 : memref<5120xf32, #tpu.memory_space<vmem>>) target(%dma_start3A_8 : memref<5120xf32, #tpu.memory_space<hbm>>) target_semaphore(%run_scoped3A : memref<!tpu.dma_semaphore, #tpu.memory_space<semaphore_mem>>)
      %dma_wait3A = tpu.memref_slice %arg6[%mul3A_2] : memref<163840xf32, #tpu.memory_space<hbm>> -> memref<5120xf32, #tpu.memory_space<hbm>>
      %dma_wait3A_9 = tpu.memref_slice %arg6[%mul3A_2] : memref<163840xf32, #tpu.memory_space<hbm>> -> memref<5120xf32, #tpu.memory_space<hbm>>
      tpu.wait_dma2 semaphore(%run_scoped3A : memref<!tpu.dma_semaphore, #tpu.memory_space<semaphore_mem>>) src(%arg14 : memref<5120xf32, #tpu.memory_space<vmem>>) dst(%dma_wait3A_9 : memref<5120xf32, #tpu.memory_space<hbm>>)
      tpu.yield
    }) : () -> ()
    "tpu.region"() ({
      %run_scoped3A = tpu.sem_alloc : memref<!tpu.dma_semaphore, #tpu.memory_space<semaphore_mem>>
      %dma_start3A = tpu.memref_slice %arg7[%mul3A_2] : memref<163840xf32, #tpu.memory_space<hbm>> -> memref<5120xf32, #tpu.memory_space<hbm>>
      %dma_start3A_8 = tpu.memref_slice %arg7[%mul3A_2] : memref<163840xf32, #tpu.memory_space<hbm>> -> memref<5120xf32, #tpu.memory_space<hbm>>
      tpu.enqueue_dma source(%arg15 : memref<5120xf32, #tpu.memory_space<vmem>>) target(%dma_start3A_8 : memref<5120xf32, #tpu.memory_space<hbm>>) target_semaphore(%run_scoped3A : memref<!tpu.dma_semaphore, #tpu.memory_space<semaphore_mem>>)
      %dma_wait3A = tpu.memref_slice %arg7[%mul3A_2] : memref<163840xf32, #tpu.memory_space<hbm>> -> memref<5120xf32, #tpu.memory_space<hbm>>
      %dma_wait3A_9 = tpu.memref_slice %arg7[%mul3A_2] : memref<163840xf32, #tpu.memory_space<hbm>> -> memref<5120xf32, #tpu.memory_space<hbm>>
      tpu.wait_dma2 semaphore(%run_scoped3A : memref<!tpu.dma_semaphore, #tpu.memory_space<semaphore_mem>>) src(%arg15 : memref<5120xf32, #tpu.memory_space<vmem>>) dst(%dma_wait3A_9 : memref<5120xf32, #tpu.memory_space<hbm>>)
      tpu.yield
    }) : () -> ()
    "tpu.region"() ({
      %run_scoped3A = tpu.sem_alloc : memref<!tpu.dma_semaphore, #tpu.memory_space<semaphore_mem>>
      %dma_start3A = tpu.memref_slice %arg8[%mul3A_2] : memref<163840xf32, #tpu.memory_space<hbm>> -> memref<5120xf32, #tpu.memory_space<hbm>>
      %dma_start3A_8 = tpu.memref_slice %arg8[%mul3A_2] : memref<163840xf32, #tpu.memory_space<hbm>> -> memref<5120xf32, #tpu.memory_space<hbm>>
      tpu.enqueue_dma source(%arg16 : memref<5120xf32, #tpu.memory_space<vmem>>) target(%dma_start3A_8 : memref<5120xf32, #tpu.memory_space<hbm>>) target_semaphore(%run_scoped3A : memref<!tpu.dma_semaphore, #tpu.memory_space<semaphore_mem>>)
      %dma_wait3A = tpu.memref_slice %arg8[%mul3A_2] : memref<163840xf32, #tpu.memory_space<hbm>> -> memref<5120xf32, #tpu.memory_space<hbm>>
      %dma_wait3A_9 = tpu.memref_slice %arg8[%mul3A_2] : memref<163840xf32, #tpu.memory_space<hbm>> -> memref<5120xf32, #tpu.memory_space<hbm>>
      tpu.wait_dma2 semaphore(%run_scoped3A : memref<!tpu.dma_semaphore, #tpu.memory_space<semaphore_mem>>) src(%arg16 : memref<5120xf32, #tpu.memory_space<vmem>>) dst(%dma_wait3A_9 : memref<5120xf32, #tpu.memory_space<hbm>>)
      tpu.yield
    }) : () -> ()
    "tpu.region"() ({
      %run_scoped3A = tpu.sem_alloc : memref<!tpu.dma_semaphore, #tpu.memory_space<semaphore_mem>>
      %dma_start3A = tpu.memref_slice %arg9[%mul3A_2] : memref<163840xi32, #tpu.memory_space<hbm>> -> memref<5120xi32, #tpu.memory_space<hbm>>
      %dma_start3A_8 = tpu.memref_slice %arg9[%mul3A_2] : memref<163840xi32, #tpu.memory_space<hbm>> -> memref<5120xi32, #tpu.memory_space<hbm>>
      tpu.enqueue_dma source(%arg17 : memref<5120xi32, #tpu.memory_space<vmem>>) target(%dma_start3A_8 : memref<5120xi32, #tpu.memory_space<hbm>>) target_semaphore(%run_scoped3A : memref<!tpu.dma_semaphore, #tpu.memory_space<semaphore_mem>>)
      %dma_wait3A = tpu.memref_slice %arg9[%mul3A_2] : memref<163840xi32, #tpu.memory_space<hbm>> -> memref<5120xi32, #tpu.memory_space<hbm>>
      %dma_wait3A_9 = tpu.memref_slice %arg9[%mul3A_2] : memref<163840xi32, #tpu.memory_space<hbm>> -> memref<5120xi32, #tpu.memory_space<hbm>>
      tpu.wait_dma2 semaphore(%run_scoped3A : memref<!tpu.dma_semaphore, #tpu.memory_space<semaphore_mem>>) src(%arg17 : memref<5120xi32, #tpu.memory_space<vmem>>) dst(%dma_wait3A_9 : memref<5120xi32, #tpu.memory_space<hbm>>)
      tpu.yield
    }) : () -> ()
    return
  }
}

module attributes {stable_mosaic.version = 14 : i64} {
  func.func @_dense_body(%arg0: i32, %arg1: memref<1x8192xf32, #tpu.memory_space<vmem>>, %arg2: memref<1x8192xf32, #tpu.memory_space<vmem>>, %arg3: memref<1x8192xf32, #tpu.memory_space<vmem>>, %arg4: memref<1x8192xi32, #tpu.memory_space<vmem>>, %arg5: memref<16x128xf32, #tpu.memory_space<vmem>>, %arg6: memref<16x16xf32, #tpu.memory_space<vmem>>, %arg7: memref<32x256xf32, #tpu.memory_space<vmem>>, %arg8: memref<64x8192xf32, #tpu.memory_space<vmem>>) attributes {dimension_semantics = [#tpu.dimension_semantics<arbitrary>], iteration_bounds = array<i64: 20>, scalar_prefetch = 0 : i64, scratch_operands = 0 : i64, tpu.core_type = #tpu.core_type<tc>, window_params = [{transform_indices = @transform_0, window_bounds = array<i64: 1, 8192>}, {transform_indices = @transform_1, window_bounds = array<i64: 1, 8192>}, {transform_indices = @transform_2, window_bounds = array<i64: 1, 8192>}, {transform_indices = @transform_3, window_bounds = array<i64: 1, 8192>}, {pipeline_mode = #tpu.pipeline_mode<synchronous>, transform_indices = @transform_4, window_bounds = array<i64: 16, 128>}, {pipeline_mode = #tpu.pipeline_mode<synchronous>, transform_indices = @transform_5, window_bounds = array<i64: 16, 16>}, {pipeline_mode = #tpu.pipeline_mode<synchronous>, transform_indices = @transform_6, window_bounds = array<i64: 32, 256>}, {transform_indices = @transform_7, window_bounds = array<i64: 64, 8192>}]} {
    %get3A = arith.constant 0 : index
    %get3A_0 = arith.constant 0 : index
    %get3A_1 = vector.load %arg1[%get3A, %get3A_0] : memref<1x8192xf32, #tpu.memory_space<vmem>>, vector<1x8192xf32>
    %get3A_2 = arith.constant 0 : index
    %get3A_3 = arith.constant 0 : index
    %get3A_4 = vector.load %arg2[%get3A_2, %get3A_3] : memref<1x8192xf32, #tpu.memory_space<vmem>>, vector<1x8192xf32>
    %get3A_5 = arith.constant 0 : index
    %get3A_6 = arith.constant 0 : index
    %get3A_7 = vector.load %arg3[%get3A_5, %get3A_6] : memref<1x8192xf32, #tpu.memory_space<vmem>>, vector<1x8192xf32>
    %mul3A = arith.mulf %get3A_1, %get3A_1 : vector<1x8192xf32>
    %mul3A_8 = arith.mulf %get3A_4, %get3A_4 : vector<1x8192xf32>
    %add3A = arith.addf %mul3A, %mul3A_8 : vector<1x8192xf32>
    %mul3A_9 = arith.mulf %get3A_7, %get3A_7 : vector<1x8192xf32>
    %add3A_10 = arith.addf %add3A, %mul3A_9 : vector<1x8192xf32>
    %add3A_11 = arith.constant 1.000000e-24 : f32
    %add3A_12 = vector.broadcast %add3A_11 : f32 to vector<1x8192xf32>
    %add3A_13 = arith.addf %add3A_10, %add3A_12 : vector<1x8192xf32>
    %sqrt3A = math.sqrt %add3A_13 : vector<1x8192xf32>
    %div3A = arith.constant 1.000000e+00 : f32
    %div3A_14 = vector.broadcast %div3A : f32 to vector<1x8192xf32>
    %div3A_15 = arith.divf %div3A_14, %sqrt3A : vector<1x8192xf32>
    %mul3A_16 = arith.mulf %get3A_1, %div3A_15 : vector<1x8192xf32>
    %mul3A_17 = arith.mulf %get3A_4, %div3A_15 : vector<1x8192xf32>
    %mul3A_18 = arith.mulf %get3A_7, %div3A_15 : vector<1x8192xf32>
    %max3A = arith.constant 9.99999997E-7 : f32
    %max3A_19 = vector.broadcast %max3A : f32 to vector<1x8192xf32>
    %max3A_20 = arith.maximumf %sqrt3A, %max3A_19 : vector<1x8192xf32>
    %iota3A = tpu.iota {dimensions = array<i32: 0>} : vector<16x1xi32>
    %add3A_21 = arith.constant 1 : i32
    %add3A_22 = vector.broadcast %add3A_21 : i32 to vector<16x1xi32>
    %add3A_23 = arith.addi %iota3A, %add3A_22 : vector<16x1xi32>
    %convert_element_type3A = arith.sitofp %add3A_23 : vector<16x1xi32> to vector<16x1xf32>
    %mul3A_24 = arith.constant 0.52359879 : f32
    %mul3A_25 = vector.broadcast %mul3A_24 : f32 to vector<16x1xf32>
    %mul3A_26 = arith.mulf %convert_element_type3A, %mul3A_25 : vector<16x1xf32>
    %lt3A = arith.constant 6.000000e+00 : f32
    %lt3A_27 = vector.broadcast %lt3A : f32 to vector<1x8192xf32>
    %lt3A_28 = arith.cmpf olt, %sqrt3A, %lt3A_27 : vector<1x8192xf32>
    %convert_element_type3A_29 = arith.extui %lt3A_28 : vector<1x8192xi1> to vector<1x8192xi32>
    %convert_element_type3A_30 = arith.sitofp %convert_element_type3A_29 : vector<1x8192xi32> to vector<1x8192xf32>
    %mul3A_31 = arith.constant 2.30940104 : f32
    %mul3A_32 = vector.broadcast %mul3A_31 : f32 to vector<1x8192xf32>
    %mul3A_33 = arith.mulf %mul3A_32, %convert_element_type3A_30 : vector<1x8192xf32>
    %div3A_34 = arith.divf %mul3A_33, %max3A_20 : vector<1x8192xf32>
    %mul3A_35 = vector.broadcast %mul3A_26 : vector<16x1xf32> to vector<16x8192xf32>
    %mul3A_36 = vector.broadcast %max3A_20 : vector<1x8192xf32> to vector<16x8192xf32>
    %mul3A_37 = arith.mulf %mul3A_35, %mul3A_36 : vector<16x8192xf32>
    %sin3A = math.sin %mul3A_37 : vector<16x8192xf32>
    %mul3A_38 = vector.broadcast %div3A_34 : vector<1x8192xf32> to vector<16x8192xf32>
    %mul3A_39 = arith.mulf %mul3A_38, %sin3A : vector<16x8192xf32>
    %get3A_40 = arith.constant 0 : index
    %get3A_41 = arith.constant 0 : index
    %get3A_42 = vector.load %arg6[%get3A_40, %get3A_41] : memref<16x16xf32, #tpu.memory_space<vmem>>, vector<16x16xf32>
    %dot_general3A = arith.constant dense<0.000000e+00> : vector<16x8192xf32>
    %dot_general3A_43 = tpu.matmul %get3A_42, %mul3A_39, %dot_general3A {dimension_numbers = #tpu.dot_dimension_numbers<[1], [0], [0], [1], [0, 0, 1, 1], [], []>, precision = #tpu.contract_precision<fp32>, transpose_lhs_hint = false} : vector<16x16xf32>, vector<16x8192xf32>, vector<16x8192xf32> -> vector<16x8192xf32>
    %neg3A = arith.constant 0.000000e+00 : f32
    %neg3A_44 = vector.broadcast %neg3A : f32 to vector<16x8192xf32>
    %neg3A_45 = arith.subf %neg3A_44, %dot_general3A_43 : vector<16x8192xf32>
    %exp3A = math.exp %neg3A_45 : vector<16x8192xf32>
    %add3A_46 = arith.constant 1.000000e+00 : f32
    %add3A_47 = vector.broadcast %add3A_46 : f32 to vector<16x8192xf32>
    %add3A_48 = arith.addf %add3A_47, %exp3A : vector<16x8192xf32>
    %div3A_49 = arith.divf %dot_general3A_43, %add3A_48 : vector<16x8192xf32>
    %get3A_50 = arith.constant 0 : index
    %get3A_51 = arith.constant 0 : index
    %get3A_52 = vector.load %arg4[%get3A_50, %get3A_51] : memref<1x8192xi32, #tpu.memory_space<vmem>>, vector<1x8192xi32>
    %iota3A_53 = tpu.iota {dimensions = array<i32: 0>} : vector<128x1xi32>
    %eq3A = vector.broadcast %get3A_52 : vector<1x8192xi32> to vector<128x8192xi32>
    %eq3A_54 = vector.broadcast %iota3A_53 : vector<128x1xi32> to vector<128x8192xi32>
    %eq3A_55 = arith.cmpi eq, %eq3A, %eq3A_54 : vector<128x8192xi32>
    %convert_element_type3A_56 = arith.extui %eq3A_55 : vector<128x8192xi1> to vector<128x8192xi32>
    %convert_element_type3A_57 = arith.sitofp %convert_element_type3A_56 : vector<128x8192xi32> to vector<128x8192xf32>
    %get3A_58 = arith.constant 0 : index
    %get3A_59 = arith.constant 0 : index
    %get3A_60 = vector.load %arg5[%get3A_58, %get3A_59] : memref<16x128xf32, #tpu.memory_space<vmem>>, vector<16x128xf32>
    %dot_general3A_61 = arith.constant dense<0.000000e+00> : vector<16x8192xf32>
    %dot_general3A_62 = tpu.matmul %get3A_60, %convert_element_type3A_57, %dot_general3A_61 {dimension_numbers = #tpu.dot_dimension_numbers<[1], [0], [0], [1], [0, 0, 1, 1], [], []>, precision = #tpu.contract_precision<fp32>, transpose_lhs_hint = false} : vector<16x128xf32>, vector<128x8192xf32>, vector<16x8192xf32> -> vector<16x8192xf32>
    %slice3A = vector.extract_strided_slice %div3A_49 {offsets = [0, 0], sizes = [1, 8192], strides = [1, 1]} : vector<16x8192xf32> to vector<1x8192xf32>
    %mul3A_63 = vector.broadcast %slice3A : vector<1x8192xf32> to vector<16x8192xf32>
    %mul3A_64 = arith.mulf %dot_general3A_62, %mul3A_63 : vector<16x8192xf32>
    %slice3A_65 = vector.extract_strided_slice %div3A_49 {offsets = [1, 0], sizes = [1, 8192], strides = [1, 1]} : vector<16x8192xf32> to vector<1x8192xf32>
    %mul3A_66 = vector.broadcast %slice3A_65 : vector<1x8192xf32> to vector<16x8192xf32>
    %mul3A_67 = arith.mulf %dot_general3A_62, %mul3A_66 : vector<16x8192xf32>
    %slice3A_68 = vector.extract_strided_slice %div3A_49 {offsets = [2, 0], sizes = [1, 8192], strides = [1, 1]} : vector<16x8192xf32> to vector<1x8192xf32>
    %mul3A_69 = vector.broadcast %slice3A_68 : vector<1x8192xf32> to vector<16x8192xf32>
    %mul3A_70 = arith.mulf %dot_general3A_62, %mul3A_69 : vector<16x8192xf32>
    %slice3A_71 = vector.extract_strided_slice %div3A_49 {offsets = [3, 0], sizes = [1, 8192], strides = [1, 1]} : vector<16x8192xf32> to vector<1x8192xf32>
    %mul3A_72 = vector.broadcast %slice3A_71 : vector<1x8192xf32> to vector<16x8192xf32>
    %mul3A_73 = arith.mulf %dot_general3A_62, %mul3A_72 : vector<16x8192xf32>
    %slice3A_74 = vector.extract_strided_slice %div3A_49 {offsets = [4, 0], sizes = [1, 8192], strides = [1, 1]} : vector<16x8192xf32> to vector<1x8192xf32>
    %mul3A_75 = vector.broadcast %slice3A_74 : vector<1x8192xf32> to vector<16x8192xf32>
    %mul3A_76 = arith.mulf %dot_general3A_62, %mul3A_75 : vector<16x8192xf32>
    %slice3A_77 = vector.extract_strided_slice %div3A_49 {offsets = [5, 0], sizes = [1, 8192], strides = [1, 1]} : vector<16x8192xf32> to vector<1x8192xf32>
    %mul3A_78 = vector.broadcast %slice3A_77 : vector<1x8192xf32> to vector<16x8192xf32>
    %mul3A_79 = arith.mulf %dot_general3A_62, %mul3A_78 : vector<16x8192xf32>
    %slice3A_80 = vector.extract_strided_slice %div3A_49 {offsets = [6, 0], sizes = [1, 8192], strides = [1, 1]} : vector<16x8192xf32> to vector<1x8192xf32>
    %mul3A_81 = vector.broadcast %slice3A_80 : vector<1x8192xf32> to vector<16x8192xf32>
    %mul3A_82 = arith.mulf %dot_general3A_62, %mul3A_81 : vector<16x8192xf32>
    %slice3A_83 = vector.extract_strided_slice %div3A_49 {offsets = [7, 0], sizes = [1, 8192], strides = [1, 1]} : vector<16x8192xf32> to vector<1x8192xf32>
    %mul3A_84 = vector.broadcast %slice3A_83 : vector<1x8192xf32> to vector<16x8192xf32>
    %mul3A_85 = arith.mulf %dot_general3A_62, %mul3A_84 : vector<16x8192xf32>
    %slice3A_86 = vector.extract_strided_slice %div3A_49 {offsets = [8, 0], sizes = [1, 8192], strides = [1, 1]} : vector<16x8192xf32> to vector<1x8192xf32>
    %mul3A_87 = vector.broadcast %slice3A_86 : vector<1x8192xf32> to vector<16x8192xf32>
    %mul3A_88 = arith.mulf %dot_general3A_62, %mul3A_87 : vector<16x8192xf32>
    %slice3A_89 = vector.extract_strided_slice %div3A_49 {offsets = [9, 0], sizes = [1, 8192], strides = [1, 1]} : vector<16x8192xf32> to vector<1x8192xf32>
    %mul3A_90 = vector.broadcast %slice3A_89 : vector<1x8192xf32> to vector<16x8192xf32>
    %mul3A_91 = arith.mulf %dot_general3A_62, %mul3A_90 : vector<16x8192xf32>
    %slice3A_92 = vector.extract_strided_slice %div3A_49 {offsets = [10, 0], sizes = [1, 8192], strides = [1, 1]} : vector<16x8192xf32> to vector<1x8192xf32>
    %mul3A_93 = vector.broadcast %slice3A_92 : vector<1x8192xf32> to vector<16x8192xf32>
    %mul3A_94 = arith.mulf %dot_general3A_62, %mul3A_93 : vector<16x8192xf32>
    %slice3A_95 = vector.extract_strided_slice %div3A_49 {offsets = [11, 0], sizes = [1, 8192], strides = [1, 1]} : vector<16x8192xf32> to vector<1x8192xf32>
    %mul3A_96 = vector.broadcast %slice3A_95 : vector<1x8192xf32> to vector<16x8192xf32>
    %mul3A_97 = arith.mulf %dot_general3A_62, %mul3A_96 : vector<16x8192xf32>
    %slice3A_98 = vector.extract_strided_slice %div3A_49 {offsets = [12, 0], sizes = [1, 8192], strides = [1, 1]} : vector<16x8192xf32> to vector<1x8192xf32>
    %mul3A_99 = vector.broadcast %slice3A_98 : vector<1x8192xf32> to vector<16x8192xf32>
    %mul3A_100 = arith.mulf %dot_general3A_62, %mul3A_99 : vector<16x8192xf32>
    %slice3A_101 = vector.extract_strided_slice %div3A_49 {offsets = [13, 0], sizes = [1, 8192], strides = [1, 1]} : vector<16x8192xf32> to vector<1x8192xf32>
    %mul3A_102 = vector.broadcast %slice3A_101 : vector<1x8192xf32> to vector<16x8192xf32>
    %mul3A_103 = arith.mulf %dot_general3A_62, %mul3A_102 : vector<16x8192xf32>
    %slice3A_104 = vector.extract_strided_slice %div3A_49 {offsets = [14, 0], sizes = [1, 8192], strides = [1, 1]} : vector<16x8192xf32> to vector<1x8192xf32>
    %mul3A_105 = vector.broadcast %slice3A_104 : vector<1x8192xf32> to vector<16x8192xf32>
    %mul3A_106 = arith.mulf %dot_general3A_62, %mul3A_105 : vector<16x8192xf32>
    %slice3A_107 = vector.extract_strided_slice %div3A_49 {offsets = [15, 0], sizes = [1, 8192], strides = [1, 1]} : vector<16x8192xf32> to vector<1x8192xf32>
    %mul3A_108 = vector.broadcast %slice3A_107 : vector<1x8192xf32> to vector<16x8192xf32>
    %mul3A_109 = arith.mulf %dot_general3A_62, %mul3A_108 : vector<16x8192xf32>
    %concatenate3A = tpu.concatenate %mul3A_64, %mul3A_67, %mul3A_70, %mul3A_73, %mul3A_76, %mul3A_79, %mul3A_82, %mul3A_85, %mul3A_88, %mul3A_91, %mul3A_94, %mul3A_97, %mul3A_100, %mul3A_103, %mul3A_106, %mul3A_109 in 0 : vector<16x8192xf32>, vector<16x8192xf32>, vector<16x8192xf32>, vector<16x8192xf32>, vector<16x8192xf32>, vector<16x8192xf32>, vector<16x8192xf32>, vector<16x8192xf32>, vector<16x8192xf32>, vector<16x8192xf32>, vector<16x8192xf32>, vector<16x8192xf32>, vector<16x8192xf32>, vector<16x8192xf32>, vector<16x8192xf32>, vector<16x8192xf32> -> vector<256x8192xf32>
    %get3A_110 = arith.constant 0 : index
    %get3A_111 = arith.constant 0 : index
    %get3A_112 = vector.load %arg7[%get3A_110, %get3A_111] : memref<32x256xf32, #tpu.memory_space<vmem>>, vector<32x256xf32>
    %dot_general3A_113 = arith.constant dense<0.000000e+00> : vector<32x8192xf32>
    %dot_general3A_114 = tpu.matmul %get3A_112, %concatenate3A, %dot_general3A_113 {dimension_numbers = #tpu.dot_dimension_numbers<[1], [0], [0], [1], [0, 0, 1, 1], [], []>, precision = #tpu.contract_precision<fp32>, transpose_lhs_hint = false} : vector<32x256xf32>, vector<256x8192xf32>, vector<32x8192xf32> -> vector<32x8192xf32>
    %slice3A_115 = vector.extract_strided_slice %dot_general3A_114 {offsets = [0, 0], sizes = [16, 8192], strides = [1, 1]} : vector<32x8192xf32> to vector<16x8192xf32>
    %slice3A_116 = vector.extract_strided_slice %dot_general3A_114 {offsets = [16, 0], sizes = [16, 8192], strides = [1, 1]} : vector<32x8192xf32> to vector<16x8192xf32>
    %mul3A_117 = vector.broadcast %mul3A_16 : vector<1x8192xf32> to vector<16x8192xf32>
    %mul3A_118 = arith.mulf %slice3A_116, %mul3A_117 : vector<16x8192xf32>
    %mul3A_119 = vector.broadcast %mul3A_17 : vector<1x8192xf32> to vector<16x8192xf32>
    %mul3A_120 = arith.mulf %slice3A_116, %mul3A_119 : vector<16x8192xf32>
    %mul3A_121 = vector.broadcast %mul3A_18 : vector<1x8192xf32> to vector<16x8192xf32>
    %mul3A_122 = arith.mulf %slice3A_116, %mul3A_121 : vector<16x8192xf32>
    %concatenate3A_123 = tpu.concatenate %slice3A_115, %mul3A_118, %mul3A_120, %mul3A_122 in 0 : vector<16x8192xf32>, vector<16x8192xf32>, vector<16x8192xf32>, vector<16x8192xf32> -> vector<64x8192xf32>
    %swap3A = arith.constant 0 : index
    %swap3A_124 = arith.constant 0 : index
    %swap3A_125 = vector.load %arg8[%swap3A, %swap3A_124] : memref<64x8192xf32, #tpu.memory_space<vmem>>, vector<64x8192xf32>
    tpu.vector_store %arg8[%swap3A, %swap3A_124], %concatenate3A_123 {strides = array<i32>} : memref<64x8192xf32, #tpu.memory_space<vmem>>, vector<64x8192xf32>,
    return
  }
  func.func @transform_0(%arg0: i32) -> (i32, i32) {
    %c0_i32 = arith.constant 0 : i32
    %c0_i32_0 = arith.constant 0 : i32
    return %c0_i32, %arg0 : i32, i32
  }
  func.func @transform_1(%arg0: i32) -> (i32, i32) {
    %c0_i32 = arith.constant 0 : i32
    %c0_i32_0 = arith.constant 0 : i32
    return %c0_i32, %arg0 : i32, i32
  }
  func.func @transform_2(%arg0: i32) -> (i32, i32) {
    %c0_i32 = arith.constant 0 : i32
    %c0_i32_0 = arith.constant 0 : i32
    return %c0_i32, %arg0 : i32, i32
  }
  func.func @transform_3(%arg0: i32) -> (i32, i32) {
    %c0_i32 = arith.constant 0 : i32
    %c0_i32_0 = arith.constant 0 : i32
    return %c0_i32, %arg0 : i32, i32
  }
  func.func @transform_4(%arg0: i32) -> (i32, i32) {
    %c0_i32 = arith.constant 0 : i32
    %c0_i32_0 = arith.constant 0 : i32
    %c0_i32_1 = arith.constant 0 : i32
    return %c0_i32, %c0_i32_0 : i32, i32
  }
  func.func @transform_5(%arg0: i32) -> (i32, i32) {
    %c0_i32 = arith.constant 0 : i32
    %c0_i32_0 = arith.constant 0 : i32
    %c0_i32_1 = arith.constant 0 : i32
    return %c0_i32, %c0_i32_0 : i32, i32
  }
  func.func @transform_6(%arg0: i32) -> (i32, i32) {
    %c0_i32 = arith.constant 0 : i32
    %c0_i32_0 = arith.constant 0 : i32
    %c0_i32_1 = arith.constant 0 : i32
    return %c0_i32, %c0_i32_0 : i32, i32
  }
  func.func @transform_7(%arg0: i32) -> (i32, i32) {
    %c0_i32 = arith.constant 0 : i32
    %c0_i32_0 = arith.constant 0 : i32
    return %c0_i32, %arg0 : i32, i32
  }
}

module attributes {stable_mosaic.version = 14 : i64} {
  func.func @_readout_body(%arg0: memref<64x10240xf32, #tpu.memory_space<vmem>>, %arg1: memref<1x10240xi32, #tpu.memory_space<vmem>>, %arg2: memref<16x1xf32, #tpu.memory_space<vmem>>, %arg3: memref<1x1xf32, #tpu.memory_space<vmem>>, %arg4: memref<10000x64xf32, #tpu.memory_space<vmem>>, %arg5: memref<64x1xf32, #tpu.memory_space<vmem>>) attributes {dimension_semantics = [], scalar_prefetch = 0 : i64, scratch_operands = 0 : i64, tpu.core_type = #tpu.core_type<tc>} {
    %get3A = arith.constant 0 : index
    %get3A_0 = arith.constant 0 : index
    %get3A_1 = vector.load %arg0[%get3A, %get3A_0] : memref<64x10240xf32, #tpu.memory_space<vmem>>, vector<64x10240xf32>
    %slice3A = vector.extract_strided_slice %get3A_1 {offsets = [0, 0], sizes = [64, 10000], strides = [1, 1]} : vector<64x10240xf32> to vector<64x10000xf32>
    %transpose3A = tpu.transpose %slice3A, [1, 0] : vector<64x10000xf32> -> vector<10000x64xf32>
    %swap3A = arith.constant 0 : index
    %swap3A_2 = arith.constant 0 : index
    %swap3A_3 = vector.load %arg4[%swap3A, %swap3A_2] : memref<10000x64xf32, #tpu.memory_space<vmem>>, vector<10000x64xf32>
    tpu.vector_store %arg4[%swap3A, %swap3A_2], %transpose3A {strides = array<i32>} : memref<10000x64xf32, #tpu.memory_space<vmem>>, vector<10000x64xf32>,
    %slice3A_4 = vector.extract_strided_slice %get3A_1 {offsets = [0, 0], sizes = [16, 10240], strides = [1, 1]} : vector<64x10240xf32> to vector<16x10240xf32>
    %get3A_5 = arith.constant 0 : index
    %get3A_6 = arith.constant 0 : index
    %get3A_7 = vector.load %arg2[%get3A_5, %get3A_6] : memref<16x1xf32, #tpu.memory_space<vmem>>, vector<16x1xf32>
    %mul3A = vector.broadcast %get3A_7 : vector<16x1xf32> to vector<16x10240xf32>
    %mul3A_8 = arith.mulf %slice3A_4, %mul3A : vector<16x10240xf32>
    %reduce_sum3A = arith.constant dense<0.000000e+00> : vector<10240xf32>
    %reduce_sum3A_9 = vector.multi_reduction <add>, %mul3A_8, %reduce_sum3A [0] : vector<16x10240xf32> to vector<10240xf32>
    %broadcast_in_dim3A = vector.shape_cast %reduce_sum3A_9 : vector<10240xf32> to vector<1x10240xf32>
    %get3A_10 = arith.constant 0 : index
    %get3A_11 = arith.constant 0 : index
    %get3A_12 = vector.load %arg3[%get3A_10, %get3A_11] : memref<1x1xf32, #tpu.memory_space<vmem>>, vector<1x1xf32>
    %add3A = vector.broadcast %get3A_12 : vector<1x1xf32> to vector<1x10240xf32>
    %add3A_13 = arith.addf %broadcast_in_dim3A, %add3A : vector<1x10240xf32>
    %get3A_14 = arith.constant 0 : index
    %get3A_15 = arith.constant 0 : index
    %get3A_16 = vector.load %arg1[%get3A_14, %get3A_15] : memref<1x10240xi32, #tpu.memory_space<vmem>>, vector<1x10240xi32>
    %iota3A = tpu.iota {dimensions = array<i32: 0>} : vector<64x1xi32>
    %eq3A = vector.broadcast %get3A_16 : vector<1x10240xi32> to vector<64x10240xi32>
    %eq3A_17 = vector.broadcast %iota3A : vector<64x1xi32> to vector<64x10240xi32>
    %eq3A_18 = arith.cmpi eq, %eq3A, %eq3A_17 : vector<64x10240xi32>
    %convert_element_type3A = arith.extui %eq3A_18 : vector<64x10240xi1> to vector<64x10240xi32>
    %convert_element_type3A_19 = arith.sitofp %convert_element_type3A : vector<64x10240xi32> to vector<64x10240xf32>
    %mul3A_20 = vector.broadcast %add3A_13 : vector<1x10240xf32> to vector<64x10240xf32>
    %mul3A_21 = arith.mulf %convert_element_type3A_19, %mul3A_20 : vector<64x10240xf32>
    %reduce_sum3A_22 = arith.constant dense<0.000000e+00> : vector<64xf32>
    %reduce_sum3A_23 = vector.multi_reduction <add>, %mul3A_21, %reduce_sum3A_22 [1] : vector<64x10240xf32> to vector<64xf32>
    %broadcast_in_dim3A_24 = vector.shape_cast %reduce_sum3A_23 : vector<64xf32> to vector<64x1xf32>
    %swap3A_25 = arith.constant 0 : index
    %swap3A_26 = arith.constant 0 : index
    %swap3A_27 = vector.load %arg5[%swap3A_25, %swap3A_26] : memref<64x1xf32, #tpu.memory_space<vmem>>, vector<64x1xf32>
    tpu.vector_store %arg5[%swap3A_25, %swap3A_26], %broadcast_in_dim3A_24 {strides = array<i32>} : memref<64x1xf32, #tpu.memory_space<vmem>>, vector<64x1xf32>,
    return
  }
}

</mosaic_0001>

<sc_bundles>
// kernel: kernel.6.cloned.1.call-start
scs
__scs_entry_jumppad:
0x0: {  	(pc) =	sbr.rel $0x88, $3  }
0x1: {  	(tag) =	ssettag $0x0;
	lr =	simm.s32 $0x1  }
0x2: {  	[smem:$0x3F98] =	sst lr;
	_ =	strace $0xD0000000  }
0x3: {  	_ = 	snop  }
0x4: {  	_ = 	snop  }
0x5: {  	_ = 	snop  }
0x6: {  	_ = 	snop  }
0x7: {  	_ = 	snop  }
__scs_overlays_trampoline_lowered:
0x8: {  	[smem:$0x3FA7] =	sst s0  }
0x9: {  	[smem:$0x3FA8] =	sst s1  }
0xa: {  	[smem:$0x3FA9] =	sst s2  }
0xb: {  	[smem:$0x3FAA] =	sst s3  }
0xc: {  	[smem:$0x3FAB] =	sst s4  }
0xd: {  	[smem:$0x3FAC] =	sst s5  }
0xe: {  	[smem:$0x3FAD] =	sst s6  }
0xf: {  	[smem:$0x3FAE] =	sst s7  }
0x10: {  	[smem:$0x3FAF] =	sst s8  }
0x11: {  	[smem:$0x3FB0] =	sst s9;
	s0 =	simm.s32 @!p0 $0x0  }
0x12: {  	s1 =	sld [smem:$0x3F96];
	s0 =	simm.s32 @p0 $0x1  }
0x13: {  	[smem:$0x3FB1] =	sst s0;
	s0 =	simm.s32 @!p1 $0x0  }
0x14: {  	s2 =	sld [smem:$0x3F95];
	s0 =	simm.s32 @p1 $0x1  }
0x15: {  	[smem:$0x3FB2] =	sst s0;
	s0 =	simm.s32 @!p2 $0x0  }
0x16: {  	s3 =	sld [smem:$0x3FDB];
	s0 =	simm.s32 @p2 $0x1  }
0x17: {  	s4 =	simm.s32 $0x1BF5;
	[smem:$0x3FB4] =	sst s0  }
0x18: {  	s0 =	sld [smem:$0x3F97];
	_ =	swait.ge [sflag:s4], $0x0  }
0x19: {  	s7 =	sld [smem:$0x3F98]  }
0x1a: {  	s8 =	sadd.s32 $0xFFFFE003, lr  }
0x1b: {  	s9 =	sadd.s32 $0xFFFFFEF7, lr;
	s5 =	simm.s32 $0xFFFFFFFF;
	p2 =	slt.u32 s8, $0xFFFFF086  }
0x1c: {  	p1 =	slt.u32 s9, $0xF7A;
	s5 =	simm.s32 @!p2 $0x0  }
0x1d: {  	s5 =	simm.s32 @p1 $0x1;
	p0 =	seq.s32 s7, s2  }
0x1e: {  	s7 =	smul.u32 @!p0 $0xF7A, s2;
	p2 =	seq.s32 @!p0 s5, $0x0  }
0x1f: {  	s9 =	smul.u32 $0xF7A, s1;
	s8 =	simm.s32 @!p0 $0x1BF5;
	p2 =	por !p2, p0  }
0x20: {  	[sflag:s8] =	ssyncset.s32 @!p0 $0xFFFFF086;
	s6 =	sadd.s32 @!p0 s3, s7;
	s7 =	simm.s32 @!p0 $0x108  }
0x21: {  	s3 =	sadd.s32 s3, s9;
	s6 =	sadd.s32 @!p0 $0x88, s6;
	s7 =	simm.s32 @p2 $0x1082  }
0x22: {  	[simem:s7], [sflag:s8] =	dma.local @!p0 [hbm:s6], $0xF7A  }
0x23: {  	s9 =	sor.u32 $0xD0000000, s2;
	s6 =	simm.s32 $0x108;
	_ =	swait.ge @!p0 [sflag:s8], $0x0  }
0x24: {  	s3 =	sadd.s32 $0x88, s3;
	s6 =	simm.s32 @!p1 $0x1082;
	[sflag:s4] =	ssyncset.s32 $0xFFFFF086  }
0x25: {  	[simem:s6], [sflag:s4] =	dma.local [hbm:s3], $0xF7A  }
0x26: {  	[smem:$0x3F98] =	sst s1;
	(tag) =	ssettag s2;
	_ =	strace s9  }
0x27: {  	s1 =	sld [smem:$0x3FA8]  }
0x28: {  	s2 =	sld [smem:$0x3FA9]  }
0x29: {  	s4 =	sld [smem:$0x3FAB]  }
0x2a: {  	p0 =	seq.s32 s5, $0x0;
	s5 =	sld [smem:$0x3FAC]  }
0x2b: {  	s6 =	sld [smem:$0x3FAD]  }
0x2c: {  	s7 =	sld [smem:$0x3FAE]  }
0x2d: {  	s3 =	simm.s32 $0x108;
	s8 =	sld [smem:$0x3FAF]  }
0x2e: {  	s3 =	simm.s32 @!p0 $0x1082;
	s9 =	sld [smem:$0x3FB0]  }
0x2f: {  	lr =	sadd.s32 s0, s3;
	s0 =	sld [smem:$0x3FA7]  }
0x30: {  	s3 =	sld [smem:$0x3FAA]  }
0x31: {  	[smem:$0x3FB3] =	sst s10  }
0x32: {  	s10 =	sld [smem:$0x3FB1];
	_ =	sdelay $0x3  }
0x33: {  	p0 =	seq.s32 s10, $0x1;
	s10 =	sld [smem:$0x3FB3];
	_ =	sdelay $0x3  }
0x34: {  	[smem:$0x3FB3] =	sst s10  }
0x35: {  	s10 =	sld [smem:$0x3FB2];
	_ =	sdelay $0x3  }
0x36: {  	p1 =	seq.s32 s10, $0x1;
	s10 =	sld [smem:$0x3FB3];
	_ =	sdelay $0x3  }
0x37: {  	[smem:$0x3FB3] =	sst s10  }
0x38: {  	s10 =	sld [smem:$0x3FB4]  }
0x39: {  	_ = 	snop;
	(pc) =	sbr.ind lr, $3  }
0x3a: {  	_ = 	snop  }
0x3b: {  	_ = 	snop  }
0x3c: {  	p2 =	seq.s32 s10, $0x1;
	s10 =	sld [smem:$0x3FB3]  }
0x3d: {  	_ =	shalt  }
0x3e: {  	_ =	shalt  }
0x3f: {  	_ =	shalt  }
0x40: {  	_ =	shalt  }
0x41: {  	_ =	shalt  }
0x42: {  	_ =	shalt  }
0x43: {  	_ =	shalt  }
0x44: {  	_ =	shalt  }
0x45: {  	_ =	shalt  }
0x46: {  	_ =	shalt  }
0x47: {  	_ =	shalt  }
0x48: {  	_ =	shalt  }
0x49: {  	_ =	shalt  }
0x4a: {  	_ =	shalt  }
0x4b: {  	_ =	shalt  }
0x4c: {  	_ =	shalt  }
0x4d: {  	_ =	shalt  }
0x4e: {  	_ =	shalt  }
0x4f: {  	_ =	shalt  }
0x50: {  	_ =	shalt  }
0x51: {  	_ =	shalt  }
0x52: {  	_ =	shalt  }
0x53: {  	_ =	shalt  }
0x54: {  	_ =	shalt  }
0x55: {  	_ =	shalt  }
0x56: {  	_ =	shalt  }
0x57: {  	_ =	shalt  }
0x58: {  	_ =	shalt  }
0x59: {  	_ =	shalt  }
0x5a: {  	_ =	shalt  }
0x5b: {  	_ =	shalt  }
0x5c: {  	_ =	shalt  }
0x5d: {  	_ =	shalt  }
0x5e: {  	_ =	shalt  }
0x5f: {  	_ =	shalt  }
0x60: {  	_ =	shalt  }
0x61: {  	_ =	shalt  }
0x62: {  	_ =	shalt  }
0x63: {  	_ =	shalt  }
0x64: {  	_ =	shalt  }
0x65: {  	_ =	shalt  }
0x66: {  	_ =	shalt  }
0x67: {  	_ =	shalt  }
0x68: {  	_ =	shalt  }
0x69: {  	_ =	shalt  }
0x6a: {  	_ =	shalt  }
0x6b: {  	_ =	shalt  }
0x6c: {  	_ =	shalt  }
0x6d: {  	_ =	shalt  }
0x6e: {  	_ =	shalt  }
0x6f: {  	_ =	shalt  }
0x70: {  	_ =	shalt  }
0x71: {  	_ =	shalt  }
0x72: {  	_ =	shalt  }
0x73: {  	_ =	shalt  }
0x74: {  	_ =	shalt  }
0x75: {  	_ =	shalt  }
0x76: {  	_ =	shalt  }
0x77: {  	_ =	shalt  }
0x78: {  	_ =	shalt  }
0x79: {  	_ =	shalt  }
0x7a: {  	_ =	shalt  }
0x7b: {  	_ =	shalt  }
0x7c: {  	_ =	shalt  }
0x7d: {  	_ =	shalt  }
0x7e: {  	_ =	shalt  }
0x7f: {  	_ =	shalt  }
0x80: {  	_ =	shalt  }
0x81: {  	_ =	shalt  }
0x82: {  	_ =	shalt  }
0x83: {  	_ =	shalt  }
0x84: {  	_ =	shalt  }
0x85: {  	_ =	shalt  }
0x86: {  	_ =	shalt  }
0x87: {  	_ =	shalt  }
.Lfunc_end0:
.L_simem_size_0:
called_computation.1_lowered:
.L_overlay_start_0:
0x88: {  	s2 =	sld [smem:$0x3FD9]  }
0x89: {  	s3 =	sld [smem:$0x3FFE];
	_ =	sdelay $0x1  }
0x8a: {  	s1 =	srdreg.scid  }
0x8b: {  	s0 =	sand.u32 $0x1, s1  }
0x8c: {  	s14 =	sshll.u32 s0, $0xA;
	s2 =	sadd.s32 s3, s2  }
0x8d: {  	s2 =	sadd.s32 s2, s14  }
0x8e: {  	[smem:$0x3FBF] =	sst s2  }
0x8f: {  	_ = 	snop  }
0x90: {  	s2 =	sld [smem:$0x3FD0];
	_ =	sdelay $0x2  }
0x91: {  	s15 =	simm.s32 $0xA;
	s4 =	simm.s32 $0x10  }
0x92: {  	[smem:s4], [sflag:s15] =	dma.local [hbm:s2], $0x1  }
0x93: {  	_ =	swait.eq [sflag:s15], $0x1  }
0x94: {  	[sflag:s15] =	ssyncset.done $0x0  }
0x95: {  	[sflag:s15] =	ssyncadd.s32 $0xFFFFFFFF  }
0x96: {  	s16 =	sld [smem:$0x11];
	(tm) =	ssettm $0x1  }
0x97: {  	s17 =	sld [smem:$0x3FFB];
	_ =	sdelay $0x3  }
0x98: {  	_ =	strace s17  }
0x99: {  	s3 =	sld [smem:$0x3FFC];
	_ =	sdelay $0x3  }
0x9a: {  	_ =	strace s3  }
0x9b: {  	s3 =	sld [smem:$0x3FFD];
	_ =	sdelay $0x3  }
0x9c: {  	_ =	strace s3  }
0x9d: {  	_ =	strace $0x8FFFFFFF  }
0x9e: {  	s18 =	sld [smem:$0x3FDB];
	_ =	sdelay $0x1  }
0x9f: {  	s19 =	simm.s32 $_scs_section_size  }
0xa0: {  	s5 =	simm.s32 $_size__tile_overlayer_lowered;
	s6 =	simm.s32 $_tile_overlayer_lowered  }
0xa1: {  	s22 =	simm.s32 $0x1BFF;
	s21 =	sshll.u32 s6, $0x1;
	s3 =	sadd.s32 s19, s18  }
0xa2: {  	s7 =	simm.s32 $0x0;
	s20 =	sshll.u32 s5, $0x1;
	s5 =	sadd.s32 s21, s3  }
0xa3: {  	[timem:s7], [sflag:s22] =	dma.local [hbm:s5], s20  }
0xa4: {  	_ =	swait.ge [sflag:s22], s20  }
0xa5: {  	s4 =	ssub.s32 $0x0, s20;
	[sflag:s22] =	ssyncset.done $0x0  }
0xa6: {  	[sflag:s22] =	ssyncadd.s32 s4;
	_ =	sdelay $0x1  }
0xa7: {  	s23 =	simm.s32 $0x1B8B  }
0xa8: {  	_ =	swait.ge [sflag:s23], $0x1  }
0xa9: {  	[sflag:s23] =	ssyncset.done $0x0  }
0xaa: {  	s25 =	simm.s32 $0x1B8E;
	s24 =	sld [smem:$0x3FFE];
	[sflag:s23] =	ssyncadd.s32 $0xFFFFFFFF  }
0xab: {  	s26 =	simm.s32 $execute0_lowered;
	[smem:$0x3FD2] =	sst s25  }
0xac: {  	s5 =	sshll.u32 s26, $0x1;
	_ =	strace $0x80000046;
	[dreg:$0x1] =	wrdreg $0xFFFFFFFF  }
0xad: {  	s28 =	simm.s32 $_size_execute0_lowered;
	s3 =	sadd.s32 s3, s5;
	[dreg:$0x0] =	wrdreg $0x0  }
0xae: {  	s5 =	sshll.u32 s28, $0x1;
	[dreg:$0x2] =	wrdreg s3  }
0xaf: {  	[dreg:$0x3] =	wrdreg s5  }
0xb0: {  	[dreg:$0x4] =	wrdreg $0xC0  }
0xb1: {  	_ =	task [dreg:s7], $0x5FFFF  }
0xb2: {  	[dreg:$0x1] =	wrdreg $0xFFFFFFFF  }
0xb3: {  	[dreg:$0x0] =	wrdreg $0x60  }
0xb4: {  	[dreg:$0x2] =	wrdreg s24  }
0xb5: {  	[dreg:$0x3] =	wrdreg s16  }
0xb6: {  	[dreg:$0x4] =	wrdreg $0x9  }
0xb7: {  	_ =	task.clear_ibuf [dreg:s7], $0x5FFFF;
	_ =	strace $0x90000046  }
0xb8: {  	s29 =	simm.s32 $0x9;
	_ =	strace $0x80000048  }
0xb9: {  	_ =	swait.ge [sflag:s29], $0x1  }
0xba: {  	[sflag:s29] =	ssyncadd.s32 $0xFFFFFFFF  }
0xbb: {  	_ =	strace $0x90000048  }
0xbc: {  	_ =	sfence  }
0xbd: {  	s30 =	sld [smem:$0x0];
	_ =	sdelay $0x2  }
0xbe: {  	s31 =	sshll.u32 s1, $0xD;
	s1 =	sshrl.u32 s1, $0x2  }
0xbf: {  	s3 =	sand.u32 $0x4000, s31;
	s1 =	sadd.s32 s1, s30  }
0xc0: {  	s0 =	sor.u32 s3, s0;
	s1 =	sshll.u32 s1, $0x11  }
0xc1: {  	s0 =	sor.u32 s1, s0  }
0xc2: {  	s0 =	sadd.s32 $0x8F2B, s0  }
0xc3: {  	[sflag:s0] =	ssyncadd.remote.s32 $0x1  }
0xc4: {  	_ =	sfence.sel $0xFFFF  }
0xc5: {  	[dreg:$0x0] =	wrdreg $0xFFFFFFFF;
	(pc) =	sbr.abs _section_cstart, $3  }
0xc6: {  	[dreg:$0x1] =	wrdreg $0xFFFFFFFF  }
0xc7: {  	_ =	task.clear_ibuf [dreg:s7], $0x2FFFF;
	_ =	strace $0x9FFFFFFF  }
0xc8: {  	(tm) =	ssettm $0x7FFFFFFF  }
0xc9: {  	_ =	shalt  }
tec
execute0_lowered:
.L_overlay_start_1:
0x0: {  	(tag) =	ssettag $0x1  }
0x1: {  	s5 =	rddreg [dreg:$0x0]  }
0x2: {  	s6 =	rddreg [dreg:$0x1]  }
0x3: {  	s0 =	rddreg [dreg:$0x2];
	s3 =	srdreg.scid  }
0x4: {  	s1 =	stileid.u32;
	s2 =	simm.s32 $0x0;
	s12 =	simm.s32 $0x1  }
0x5: {  	s13 =	simm.s32 $0xA000;
	s14 =	simm.s32 $0xC800;
	s15 =	simm.s32 $0xDC00  }
0x6: {  	s16 =	simm.s32 $0xF000;
	s17 =	simm.s32 $0x10400;
	s18 =	simm.s32 $0x11800  }
0x7: {  	s19 =	simm.s32 $0x12C00;
	s3 =	sand.u32 $0x1, s3;
	s4 =	sshll.u32 s1, $0x1  }
0x8: {  	s20 =	simm.s32 $0x0;
	[smem:$0x7FF] =	sst s2;
	s4 =	sor.u32 s3, s4  }
0x9: {  	_ =	strace $0x80000047;
	s8 =	ssub.s32 $0x2, s3;
	s7 =	smul.u32 $0x280, s4  }
0xa: {  	s3 =	sadd.s32 $0x2000, s5;
	s4 =	sadd.s32 $0x3400, s5;
	s9 =	sshrl.u32 s8, $0x1  }
0xb: {  	s11 =	ssub.s32 s8, s9;
	s10 =	sadd.s32 s7, s5;
	s5 =	sadd.s32 s6, s7  }
0xc: {  	s11 =	smax.u32 s11, $0x1;
	s6 =	sadd.s32 $0x3A00, s10;
	s7 =	sadd.s32 $0x8A00, s10  }
0xd: {  	s8 =	sadd.s32 $0xDA00, s10;
	s9 =	sadd.s32 $0x12A00, s10;
	s10 =	sadd.s32 $0x17A00, s10  }
.LBB2_1:
0xe: {  	[tilespmem:s2], [sflag:$0x1] =	stream.linear.gather [hbm4b:s3+s2], $0xA000, $0x38;
	[tilespmem:$0x14000] =	vst v63  }
0xf: {  	_ =	swait.ge [sflag:s12], $0xA000  }
0x10: {  	[sflag:s12] =	ssyncset.done $0x0  }
0x11: {  	[sflag:s12] =	ssyncadd.s32 $0xFFFF6000  }
0x12: {  	[tilespmem:s13], [sflag:$0x1] =	stream.linear.gather [hbm4b:s4+s2], $0x2800, $0x38;
	[tilespmem:$0x14000] =	vst v63  }
0x13: {  	_ =	swait.ge [sflag:s12], $0x2800  }
0x14: {  	[sflag:s12] =	ssyncset.done $0x0  }
0x15: {  	[sflag:s12] =	ssyncadd.s32 $0xFFFFD800  }
0x16: {  	[tilespmem:s14], [sflag:$0x1] =	stream.linear.gather [hbm4b:s5+s2], $0x1400, $0x38;
	[tilespmem:$0x14000] =	vst v63  }
0x17: {  	_ =	swait.ge [sflag:s12], $0x1400  }
0x18: {  	[sflag:s12] =	ssyncset.done $0x0  }
0x19: {  	[sflag:s12] =	ssyncadd.s32 $0xFFFFEC00  }
0x1a: {  	[tilespmem:s15], [sflag:$0x1] =	stream.linear.gather [hbm4b:s6+s2], $0x1400, $0x38;
	[tilespmem:$0x14000] =	vst v63  }
0x1b: {  	_ =	swait.ge [sflag:s12], $0x1400  }
0x1c: {  	[sflag:s12] =	ssyncset.done $0x0  }
0x1d: {  	s21 =	simm.s32 $0x0;
	[sflag:s12] =	ssyncadd.s32 $0xFFFFEC00  }
0x1e: {  	v1 =	vld [tilespmem:s21+$0xDC00]  }
0x1f: {  	v0 =	vld [tilespmem:s21+$0xC800];
	_ =	sdelay $0x3  }
0x20: {  	v1 =	vshll.u32 v1, $0x2  }
0x21: {  	v2 =	vshll.u32 v0, $0x2;
	_ =	sdelay $0x3  }
0x22: {  	v3 =	vld.idx.msk [tilespmem:v1+s2+$0x0], $0xffff  }
0x23: {  	v4 =	vld.idx.msk [tilespmem:v2+s2+$0x0], $0xffff;
	_ =	sdelay $0x2  }
0x24: {  	v5 =	vor.u32 $0x1, v2  }
0x25: {  	v6 =	vor.u32 $0x1, v1  }
0x26: {  	v3 =	vsub.f32 v4, v3;
	_ =	sdelay $0x1  }
0x27: {  	[tilespmem:s21+$0xF000] =	vst v3  }
0x28: {  	v3 =	vld.idx.msk [tilespmem:v5+s2+$0x0], $0xffff  }
0x29: {  	v63 =	vld.idx.msk [tilespmem:v6+s2+$0x0], $0xffff;
	_ =	sdelay $0x2  }
0x2a: {  	v2 =	vor.u32 $0x2, v2  }
0x2b: {  	v1 =	vor.u32 $0x2, v1  }
0x2c: {  	v3 =	vsub.f32 v3, v63;
	_ =	sdelay $0x1  }
0x2d: {  	[tilespmem:s21+$0x10400] =	vst v3  }
0x2e: {  	v3 =	vld.idx.msk [tilespmem:v2+s2+$0x0], $0xffff  }
0x2f: {  	v1 =	vld.idx.msk [tilespmem:v1+s2+$0x0], $0xffff;
	_ =	sdelay $0x3  }
0x30: {  	s23 =	simm.s32 $0x10  }
0x31: {  	v2 =	vld [tilespmem:s23+$0xDC00];
	v3 =	vsub.f32 v3, v1  }
0x32: {  	v1 =	vld [tilespmem:s23+$0xC800]  }
0x33: {  	s22 =	simm.s32 $0x80;
	[tilespmem:s21+$0x11800] =	vst v3  }
.LBB2_2:
0x34: {  	p0 =	sne.s32 s22, $0x4FC0;
	v3 =	vld.idx.msk [tilespmem:v0+s13+$0x0], $0xffff;
	_ =	sdelay $0x1  }
0x35: {  	v2 =	vshll.u32 v2, $0x2  }
0x36: {  	v4 =	vshll.u32 v1, $0x2;
	v0 =	vmov v1;
	_ =	sdelay $0x2  }
0x37: {  	[tilespmem:s21+$0x12C00] =	vst v3;
	s21 =	smov.u32 s23  }
0x38: {  	v1 =	vld.idx.msk [tilespmem:v2+s2+$0x0], $0xffff  }
0x39: {  	v3 =	vld.idx.msk [tilespmem:v4+s2+$0x0], $0xffff;
	_ =	sdelay $0x3  }
0x3a: {  	v5 =	vor.u32 $0x1, v4  }
0x3b: {  	v6 =	vor.u32 $0x1, v2  }
0x3c: {  	v1 =	vsub.f32 v3, v1;
	_ =	sdelay $0x1  }
0x3d: {  	[tilespmem:s21+$0xF000] =	vst v1  }
0x3e: {  	v1 =	vld.idx.msk [tilespmem:v5+s2+$0x0], $0xffff  }
0x3f: {  	v3 =	vld.idx.msk [tilespmem:v6+s2+$0x0], $0xffff;
	_ =	sdelay $0x3  }
0x40: {  	v4 =	vor.u32 $0x2, v4  }
0x41: {  	v2 =	vor.u32 $0x2, v2  }
0x42: {  	v1 =	vsub.f32 v1, v3;
	_ =	sdelay $0x1  }
0x43: {  	[tilespmem:s21+$0x10400] =	vst v1  }
0x44: {  	v1 =	vld.idx.msk [tilespmem:v4+s2+$0x0], $0xffff  }
0x45: {  	v3 =	vld.idx.msk [tilespmem:v2+s2+$0x0], $0xffff;
	_ =	sdelay $0x3  }
.Ltmp0:
0x46: {  	(pc) =	sbr.rel @p0 .LBB2_2-.Ltmp0, $4  }
0x47: {  	s23 =	sshra.s32 s22, $0x2  }
0x48: {  	v3 =	vsub.f32 v1, v3;
	v2 =	vld [tilespmem:s23+$0xDC00]  }
0x49: {  	v1 =	vld [tilespmem:s23+$0xC800]  }
0x4a: {  	s22 =	sadd.s32 $0x40, s22;
	[tilespmem:s21+$0x11800] =	vst v3  }
0x4b: {  	_ =	sdelay $0x3  }
0x4c: {  	v0 =	vld.idx.msk [tilespmem:v0+s13+$0x0], $0xffff  }
0x4d: {  	v2 =	vshll.u32 v2, $0x2  }
0x4e: {  	v3 =	vshll.u32 v1, $0x2;
	_ =	sdelay $0x2  }
0x4f: {  	[tilespmem:s21+$0x12C00] =	vst v0  }
0x50: {  	v0 =	vld.idx.msk [tilespmem:v2+s2+$0x0], $0xffff  }
0x51: {  	v4 =	vld.idx.msk [tilespmem:v3+s2+$0x0], $0xffff;
	_ =	sdelay $0x2  }
0x52: {  	v5 =	vor.u32 $0x1, v3  }
0x53: {  	v6 =	vor.u32 $0x1, v2  }
0x54: {  	v0 =	vsub.f32 v4, v0;
	_ =	sdelay $0x1  }
0x55: {  	[tilespmem:s23+$0xF000] =	vst v0  }
0x56: {  	v0 =	vld.idx.msk [tilespmem:v5+s2+$0x0], $0xffff  }
0x57: {  	v63 =	vld.idx.msk [tilespmem:v6+s2+$0x0], $0xffff;
	_ =	sdelay $0x2  }
0x58: {  	v3 =	vor.u32 $0x2, v3  }
0x59: {  	v2 =	vor.u32 $0x2, v2  }
0x5a: {  	v0 =	vsub.f32 v0, v63;
	_ =	sdelay $0x1  }
0x5b: {  	[tilespmem:s23+$0x10400] =	vst v0  }
0x5c: {  	v0 =	vld.idx.msk [tilespmem:v3+s2+$0x0], $0xffff  }
0x5d: {  	v2 =	vld.idx.msk [tilespmem:v2+s2+$0x0], $0xffff;
	_ =	sdelay $0x4  }
0x5e: {  	v0 =	vsub.f32 v0, v2;
	_ =	sdelay $0x1  }
0x5f: {  	[tilespmem:s23+$0x11800] =	vst v0  }
0x60: {  	v0 =	vld.idx.msk [tilespmem:v1+s13+$0x0], $0xffff;
	_ =	sdelay $0x4  }
0x61: {  	[tilespmem:s23+$0x12C00] =	vst v0  }
0x62: {  	[hbm4b:s7+s2] =	stream.linear.scatter [tilespmem:s16], [sflag:$0x1], $0x1400, $0x38;
	[tilespmem:$0x14000] =	vst v63  }
0x63: {  	_ =	swait.ge [sflag:s12], $0x1400  }
0x64: {  	[sflag:s12] =	ssyncset.done $0x0  }
0x65: {  	[sflag:s12] =	ssyncadd.s32 $0xFFFFEC00  }
0x66: {  	[hbm4b:s8+s2] =	stream.linear.scatter [tilespmem:s17], [sflag:$0x1], $0x1400, $0x38;
	[tilespmem:$0x14000] =	vst v63  }
0x67: {  	_ =	swait.ge [sflag:s12], $0x1400  }
0x68: {  	[sflag:s12] =	ssyncset.done $0x0  }
0x69: {  	[sflag:s12] =	ssyncadd.s32 $0xFFFFEC00  }
0x6a: {  	[hbm4b:s9+s2] =	stream.linear.scatter [tilespmem:s18], [sflag:$0x1], $0x1400, $0x38;
	[tilespmem:$0x14000] =	vst v63  }
0x6b: {  	s20 =	sadd.s32 $0x1, s20;
	_ =	swait.ge [sflag:s12], $0x1400  }
0x6c: {  	p0 =	sne.s32 s20, s11;
	[sflag:s12] =	ssyncset.done $0x0  }
.Ltmp1:
0x6d: {  	[sflag:s12] =	ssyncadd.s32 $0xFFFFEC00;
	(pc) =	sbr.rel @p0 .LBB2_1-.Ltmp1, $4  }
0x6e: {  	[hbm4b:s10+s2] =	stream.linear.scatter [tilespmem:s19], [sflag:$0x1], $0x1400, $0x38;
	[tilespmem:$0x14000] =	vst v63  }
0x6f: {  	_ =	swait.ge [sflag:s12], $0x1400  }
0x70: {  	[sflag:s12] =	ssyncset.done $0x0  }
0x71: {  	[sflag:s12] =	ssyncadd.s32 $0xFFFFEC00  }
0x72: {  	_ =	sfence.sel $0x180000  }
0x73: {  	[bflag:$0x0] =	sbarrier.arrive $0xFFFF  }
0x74: {  	p0 =	sne.s32 s1, $0x0;
	_ =	strace $0x90000047  }
0x75: {  	s0 =	sadd.s32 @!p0 $0x100000, s0;
	[bflag:$0x2] =	sbarrier.arrive $0xFFFF  }
0x76: {  	[sflag:s0] =	ssyncadd.tile.s32 @!p0 $0x1;
	_ =	shalt  }
.Lfunc_end2:
_tile_overlayer_lowered:
.L_overlay_start_2:
0x77: {  	(tag) =	ssettag $0x2  }
0x78: {  	s0 =	rddreg [dreg:$0x0];
	s2 =	stileid.u32  }
0x79: {  	s1 =	rddreg [dreg:$0x1];
	p0 =	sne.s32 s2, $0x0  }
0x7a: {  	s3 =	rddreg [dreg:$0x2];
	[bflag:$0x3] =	sbarrier.arrive $0xFFFF;
	s2 =	simm.s32 @!p0 $0x1C01  }
0x7b: {  	[timem:s3], [sflag:s2] =	dma.local @!p0 [hbm:s0], s1  }
0x7c: {  	s0 =	simm.s32 @!p0 $0x1  }
0x7d: {  	_ =	swait.ge @!p0 [sflag:s0], s1  }
0x7e: {  	s1 =	ssub.s32 @!p0 $0x0, s1;
	[sflag:s0] =	ssyncset.done @!p0 $0x0  }
0x7f: {  	[sflag:s0] =	ssyncadd.s32 @!p0 s1  }
0x80: {  	[bflag:$0x3] =	sbarrier.arrive $0xFFFF  }
0x81: {  	_ =	shalt  }

// kernel: kernel.9.cloned.1.call-start
scs
__scs_entry_jumppad:
0x0: {  	(pc) =	sbr.rel $0x88, $3  }
0x1: {  	(tag) =	ssettag $0x0;
	lr =	simm.s32 $0x1  }
0x2: {  	[smem:$0x3F98] =	sst lr;
	_ =	strace $0xD0000000  }
0x3: {  	_ = 	snop  }
0x4: {  	_ = 	snop  }
0x5: {  	_ = 	snop  }
0x6: {  	_ = 	snop  }
0x7: {  	_ = 	snop  }
__scs_overlays_trampoline_lowered:
0x8: {  	[smem:$0x3FA7] =	sst s0  }
0x9: {  	[smem:$0x3FA8] =	sst s1  }
0xa: {  	[smem:$0x3FA9] =	sst s2  }
0xb: {  	[smem:$0x3FAA] =	sst s3  }
0xc: {  	[smem:$0x3FAB] =	sst s4  }
0xd: {  	[smem:$0x3FAC] =	sst s5  }
0xe: {  	[smem:$0x3FAD] =	sst s6  }
0xf: {  	[smem:$0x3FAE] =	sst s7  }
0x10: {  	[smem:$0x3FAF] =	sst s8  }
0x11: {  	[smem:$0x3FB0] =	sst s9;
	s0 =	simm.s32 @!p0 $0x0  }
0x12: {  	s1 =	sld [smem:$0x3F96];
	s0 =	simm.s32 @p0 $0x1  }
0x13: {  	[smem:$0x3FB1] =	sst s0;
	s0 =	simm.s32 @!p1 $0x0  }
0x14: {  	s2 =	sld [smem:$0x3F95];
	s0 =	simm.s32 @p1 $0x1  }
0x15: {  	[smem:$0x3FB2] =	sst s0;
	s0 =	simm.s32 @!p2 $0x0  }
0x16: {  	s3 =	sld [smem:$0x3FDB];
	s0 =	simm.s32 @p2 $0x1  }
0x17: {  	s4 =	simm.s32 $0x1BF5;
	[smem:$0x3FB4] =	sst s0  }
0x18: {  	s0 =	sld [smem:$0x3F97];
	_ =	swait.ge [sflag:s4], $0x0  }
0x19: {  	s7 =	sld [smem:$0x3F98]  }
0x1a: {  	s8 =	sadd.s32 $0xFFFFE003, lr  }
0x1b: {  	s9 =	sadd.s32 $0xFFFFFEF7, lr;
	s5 =	simm.s32 $0xFFFFFFFF;
	p2 =	slt.u32 s8, $0xFFFFF086  }
0x1c: {  	p1 =	slt.u32 s9, $0xF7A;
	s5 =	simm.s32 @!p2 $0x0  }
0x1d: {  	s5 =	simm.s32 @p1 $0x1;
	p0 =	seq.s32 s7, s2  }
0x1e: {  	s7 =	smul.u32 @!p0 $0xF7A, s2;
	p2 =	seq.s32 @!p0 s5, $0x0  }
0x1f: {  	s9 =	smul.u32 $0xF7A, s1;
	s8 =	simm.s32 @!p0 $0x1BF5;
	p2 =	por !p2, p0  }
0x20: {  	[sflag:s8] =	ssyncset.s32 @!p0 $0xFFFFF086;
	s6 =	sadd.s32 @!p0 s3, s7;
	s7 =	simm.s32 @!p0 $0x108  }
0x21: {  	s3 =	sadd.s32 s3, s9;
	s6 =	sadd.s32 @!p0 $0x88, s6;
	s7 =	simm.s32 @p2 $0x1082  }
0x22: {  	[simem:s7], [sflag:s8] =	dma.local @!p0 [hbm:s6], $0xF7A  }
0x23: {  	s9 =	sor.u32 $0xD0000000, s2;
	s6 =	simm.s32 $0x108;
	_ =	swait.ge @!p0 [sflag:s8], $0x0  }
0x24: {  	s3 =	sadd.s32 $0x88, s3;
	s6 =	simm.s32 @!p1 $0x1082;
	[sflag:s4] =	ssyncset.s32 $0xFFFFF086  }
0x25: {  	[simem:s6], [sflag:s4] =	dma.local [hbm:s3], $0xF7A  }
0x26: {  	[smem:$0x3F98] =	sst s1;
	(tag) =	ssettag s2;
	_ =	strace s9  }
0x27: {  	s1 =	sld [smem:$0x3FA8]  }
0x28: {  	s2 =	sld [smem:$0x3FA9]  }
0x29: {  	s4 =	sld [smem:$0x3FAB]  }
0x2a: {  	p0 =	seq.s32 s5, $0x0;
	s5 =	sld [smem:$0x3FAC]  }
0x2b: {  	s6 =	sld [smem:$0x3FAD]  }
0x2c: {  	s7 =	sld [smem:$0x3FAE]  }
0x2d: {  	s3 =	simm.s32 $0x108;
	s8 =	sld [smem:$0x3FAF]  }
0x2e: {  	s3 =	simm.s32 @!p0 $0x1082;
	s9 =	sld [smem:$0x3FB0]  }
0x2f: {  	lr =	sadd.s32 s0, s3;
	s0 =	sld [smem:$0x3FA7]  }
0x30: {  	s3 =	sld [smem:$0x3FAA]  }
0x31: {  	[smem:$0x3FB3] =	sst s10  }
0x32: {  	s10 =	sld [smem:$0x3FB1];
	_ =	sdelay $0x3  }
0x33: {  	p0 =	seq.s32 s10, $0x1;
	s10 =	sld [smem:$0x3FB3];
	_ =	sdelay $0x3  }
0x34: {  	[smem:$0x3FB3] =	sst s10  }
0x35: {  	s10 =	sld [smem:$0x3FB2];
	_ =	sdelay $0x3  }
0x36: {  	p1 =	seq.s32 s10, $0x1;
	s10 =	sld [smem:$0x3FB3];
	_ =	sdelay $0x3  }
0x37: {  	[smem:$0x3FB3] =	sst s10  }
0x38: {  	s10 =	sld [smem:$0x3FB4]  }
0x39: {  	_ = 	snop;
	(pc) =	sbr.ind lr, $3  }
0x3a: {  	_ = 	snop  }
0x3b: {  	_ = 	snop  }
0x3c: {  	p2 =	seq.s32 s10, $0x1;
	s10 =	sld [smem:$0x3FB3]  }
0x3d: {  	_ =	shalt  }
0x3e: {  	_ =	shalt  }
0x3f: {  	_ =	shalt  }
0x40: {  	_ =	shalt  }
0x41: {  	_ =	shalt  }
0x42: {  	_ =	shalt  }
0x43: {  	_ =	shalt  }
0x44: {  	_ =	shalt  }
0x45: {  	_ =	shalt  }
0x46: {  	_ =	shalt  }
0x47: {  	_ =	shalt  }
0x48: {  	_ =	shalt  }
0x49: {  	_ =	shalt  }
0x4a: {  	_ =	shalt  }
0x4b: {  	_ =	shalt  }
0x4c: {  	_ =	shalt  }
0x4d: {  	_ =	shalt  }
0x4e: {  	_ =	shalt  }
0x4f: {  	_ =	shalt  }
0x50: {  	_ =	shalt  }
0x51: {  	_ =	shalt  }
0x52: {  	_ =	shalt  }
0x53: {  	_ =	shalt  }
0x54: {  	_ =	shalt  }
0x55: {  	_ =	shalt  }
0x56: {  	_ =	shalt  }
0x57: {  	_ =	shalt  }
0x58: {  	_ =	shalt  }
0x59: {  	_ =	shalt  }
0x5a: {  	_ =	shalt  }
0x5b: {  	_ =	shalt  }
0x5c: {  	_ =	shalt  }
0x5d: {  	_ =	shalt  }
0x5e: {  	_ =	shalt  }
0x5f: {  	_ =	shalt  }
0x60: {  	_ =	shalt  }
0x61: {  	_ =	shalt  }
0x62: {  	_ =	shalt  }
0x63: {  	_ =	shalt  }
0x64: {  	_ =	shalt  }
0x65: {  	_ =	shalt  }
0x66: {  	_ =	shalt  }
0x67: {  	_ =	shalt  }
0x68: {  	_ =	shalt  }
0x69: {  	_ =	shalt  }
0x6a: {  	_ =	shalt  }
0x6b: {  	_ =	shalt  }
0x6c: {  	_ =	shalt  }
0x6d: {  	_ =	shalt  }
0x6e: {  	_ =	shalt  }
0x6f: {  	_ =	shalt  }
0x70: {  	_ =	shalt  }
0x71: {  	_ =	shalt  }
0x72: {  	_ =	shalt  }
0x73: {  	_ =	shalt  }
0x74: {  	_ =	shalt  }
0x75: {  	_ =	shalt  }
0x76: {  	_ =	shalt  }
0x77: {  	_ =	shalt  }
0x78: {  	_ =	shalt  }
0x79: {  	_ =	shalt  }
0x7a: {  	_ =	shalt  }
0x7b: {  	_ =	shalt  }
0x7c: {  	_ =	shalt  }
0x7d: {  	_ =	shalt  }
0x7e: {  	_ =	shalt  }
0x7f: {  	_ =	shalt  }
0x80: {  	_ =	shalt  }
0x81: {  	_ =	shalt  }
0x82: {  	_ =	shalt  }
0x83: {  	_ =	shalt  }
0x84: {  	_ =	shalt  }
0x85: {  	_ =	shalt  }
0x86: {  	_ =	shalt  }
0x87: {  	_ =	shalt  }
.Lfunc_end0:
.L_simem_size_0:
called_computation.2_lowered:
.L_overlay_start_0:
0x88: {  	s2 =	sld [smem:$0x3FD9]  }
0x89: {  	s3 =	sld [smem:$0x3FFE];
	_ =	sdelay $0x1  }
0x8a: {  	s1 =	srdreg.scid  }
0x8b: {  	s0 =	sand.u32 $0x1, s1  }
0x8c: {  	s16 =	sshll.u32 s0, $0xA;
	s2 =	sadd.s32 s3, s2  }
0x8d: {  	s2 =	sadd.s32 s2, s16  }
0x8e: {  	[smem:$0x3FBF] =	sst s2  }
0x8f: {  	_ = 	snop  }
0x90: {  	(tm) =	ssettm $0x1  }
0x91: {  	s17 =	sld [smem:$0x3FFB];
	_ =	sdelay $0x3  }
0x92: {  	_ =	strace s17  }
0x93: {  	s2 =	sld [smem:$0x3FFC];
	_ =	sdelay $0x3  }
0x94: {  	_ =	strace s2  }
0x95: {  	s2 =	sld [smem:$0x3FFD];
	_ =	sdelay $0x3  }
0x96: {  	_ =	strace s2  }
0x97: {  	_ =	strace $0x8FFFFFFF  }
0x98: {  	s18 =	sld [smem:$0x3FDB];
	_ =	sdelay $0x1  }
0x99: {  	s19 =	simm.s32 $_scs_section_size  }
0x9a: {  	s4 =	simm.s32 $_size__tile_overlayer_lowered;
	s5 =	simm.s32 $_tile_overlayer_lowered  }
0x9b: {  	s22 =	simm.s32 $0x1BFF;
	s21 =	sshll.u32 s5, $0x1;
	s2 =	sadd.s32 s19, s18  }
0x9c: {  	s6 =	simm.s32 $0x0;
	s20 =	sshll.u32 s4, $0x1;
	s4 =	sadd.s32 s21, s2  }
0x9d: {  	[timem:s6], [sflag:s22] =	dma.local [hbm:s4], s20  }
0x9e: {  	_ =	swait.ge [sflag:s22], s20  }
0x9f: {  	s3 =	ssub.s32 $0x0, s20;
	[sflag:s22] =	ssyncset.done $0x0  }
0xa0: {  	[sflag:s22] =	ssyncadd.s32 s3;
	_ =	sdelay $0x1  }
0xa1: {  	s23 =	simm.s32 $0x1B8B  }
0xa2: {  	_ =	swait.ge [sflag:s23], $0x1  }
0xa3: {  	[sflag:s23] =	ssyncset.done $0x0  }
0xa4: {  	s25 =	simm.s32 $0x1B8E;
	s24 =	sld [smem:$0x3FFE];
	[sflag:s23] =	ssyncadd.s32 $0xFFFFFFFF  }
0xa5: {  	s26 =	simm.s32 $execute0_lowered;
	[smem:$0x3FD2] =	sst s25  }
0xa6: {  	s4 =	sshll.u32 s26, $0x1;
	_ =	strace $0x8000004C;
	[dreg:$0x1] =	wrdreg $0xFFFFFFFF  }
0xa7: {  	s28 =	simm.s32 $_size_execute0_lowered;
	s2 =	sadd.s32 s2, s4;
	[dreg:$0x0] =	wrdreg $0x0  }
0xa8: {  	s4 =	sshll.u32 s28, $0x1;
	[dreg:$0x2] =	wrdreg s2  }
0xa9: {  	[dreg:$0x3] =	wrdreg s4  }
0xaa: {  	[dreg:$0x4] =	wrdreg $0xC0  }
0xab: {  	_ =	task [dreg:s6], $0x5FFFF  }
0xac: {  	[dreg:$0x1] =	wrdreg $0xFFFFFFFF  }
0xad: {  	[dreg:$0x0] =	wrdreg $0x60  }
0xae: {  	[dreg:$0x2] =	wrdreg s24  }
0xaf: {  	[dreg:$0x3] =	wrdreg $0x9  }
0xb0: {  	_ =	task.clear_ibuf [dreg:s6], $0x4FFFF;
	_ =	strace $0x9000004C  }
0xb1: {  	s29 =	simm.s32 $0x9;
	_ =	strace $0x8000004E  }
0xb2: {  	_ =	swait.ge [sflag:s29], $0x1  }
0xb3: {  	[sflag:s29] =	ssyncadd.s32 $0xFFFFFFFF  }
0xb4: {  	_ =	strace $0x9000004E  }
0xb5: {  	_ =	sfence  }
0xb6: {  	s30 =	sld [smem:$0x0];
	_ =	sdelay $0x2  }
0xb7: {  	s31 =	sshll.u32 s1, $0xD;
	s1 =	sshrl.u32 s1, $0x2  }
0xb8: {  	s3 =	sand.u32 $0x4000, s31;
	s1 =	sadd.s32 s1, s30  }
0xb9: {  	s0 =	sor.u32 s3, s0;
	s1 =	sshll.u32 s1, $0x11  }
0xba: {  	s0 =	sor.u32 s1, s0  }
0xbb: {  	s0 =	sadd.s32 $0x8F2B, s0  }
0xbc: {  	[sflag:s0] =	ssyncadd.remote.s32 $0x1  }
0xbd: {  	_ =	sfence.sel $0xFFFF  }
0xbe: {  	[dreg:$0x0] =	wrdreg $0xFFFFFFFF;
	(pc) =	sbr.abs _section_cstart, $3  }
0xbf: {  	[dreg:$0x1] =	wrdreg $0xFFFFFFFF  }
0xc0: {  	_ =	task.clear_ibuf [dreg:s6], $0x2FFFF;
	_ =	strace $0x9FFFFFFF  }
0xc1: {  	(tm) =	ssettm $0x7FFFFFFF  }
tec
execute0_lowered:
.L_overlay_start_1:
0x0: {  	(tag) =	ssettag $0x1  }
0x1: {  	s7 =	rddreg [dreg:$0x0]  }
0x2: {  	s0 =	rddreg [dreg:$0x1];
	s3 =	srdreg.scid  }
0x3: {  	s1 =	stileid.u32;
	s2 =	simm.s32 $0x0;
	s14 =	simm.s32 $0x3000  }
0x4: {  	s15 =	simm.s32 $0x4000;
	s16 =	simm.s32 $0x5000;
	s17 =	simm.s32 $0x1  }
0x5: {  	s18 =	simm.s32 $0x6000;
	s19 =	simm.s32 $0x8800;
	s20 =	simm.s32 $0x2  }
0x6: {  	s21 =	simm.s32 $0x3;
	s8 =	sand.u32 $0x1, s3;
	s29 =	sshll.u32 s1, $0x1  }
0x7: {  	s22 =	simm.s32 $0x0;
	[smem:$0x7FF] =	sst s2;
	s9 =	sor.u32 s8, s29  }
0x8: {  	s4 =	sadd.s32 $0x148A00, s7;
	s5 =	sadd.s32 $0x3A00, s7;
	s3 =	smul.u32 $0x50000, s9  }
0x9: {  	s11 =	sadd.s32 $0x8A00, s7;
	s10 =	sshllo.u32 s9, $0x1;
	s9 =	smul.u32 $0xA00, s9  }
0xa: {  	_ =	strace $0x8000004D;
	s30 =	ssub.s32 $0x2, s8;
	s6 =	smul.u32 $0x28000, s10  }
0xb: {  	s8 =	sshrl.u32 s30, $0x1;
	s10 =	smul.u32 $0x500, s10;
	s12 =	sshrl.u32 s3, $0x3  }
0xc: {  	s13 =	ssub.s32 s30, s8;
	s9 =	sadd.s32 s11, s9;
	s7 =	sadd.s32 s4, s12  }
0xd: {  	s31 =	sshrl.u32 s6, $0x3;
	s10 =	sadd.s32 s11, s10;
	s11 =	smax.u32 s13, $0x1  }
0xe: {  	v0 =	vimm.f32 $0.0e+00;
	s12 =	simm.s32 $0x1000;
	s13 =	simm.s32 $0x2000;
	s8 =	sadd.s32 s4, s31  }
.LBB2_1:
0xf: {  	s23 =	simm.s32 $0x40;
	s24 =	simm.s32 $0x0  }
.LBB2_2:
0x10: {  	p0 =	sne.s32 s23, $0x9FC0;
	[tilespmem:s24+$0x6000] =	vst v0;
	s25 =	smov.u32 s23;
	s23 =	sadd.s32 $0x40, s23  }
.Ltmp0:
0x11: {  	[tilespmem:s24+$0x8800] =	vst v0;
	(pc) =	sbr.rel @p0 .LBB2_2-.Ltmp0, $2  }
0x12: {  	_ =	sdelay $0x2  }
0x13: {  	s24 =	sshra.s32 s25, $0x2  }
0x14: {  	[tilespmem:s24+$0x6000] =	vst v0  }
0x15: {  	[tilespmem:s24+$0x8800] =	vst v0;
	s23 =	simm.s32 $0x0  }
0x16: {  	[tilespmem:s23], [sflag:$0x1] =	stream.linear.gather [hbm4b:s5+s23], $0x1000, $0x38;
	[tilespmem:$0xB000] =	vst v63  }
0x17: {  	_ = 	snop  }
0x18: {  	[tilespmem:s12], [sflag:$0x1] =	stream.linear.gather [hbm4b:s7+s23], $0x1000, $0x38;
	[tilespmem:$0xB000] =	vst v63  }
0x19: {  	s24 =	simm.s32 $0x0  }
0x1a: {  	[tilespmem:s13], [sflag:$0x1] =	stream.linear.gather [hbm4b:s8+s23], $0x1000, $0x38;
	[tilespmem:$0xB000] =	vst v63  }
.LBB2_4:
0x1b: {  	s25 =	sshll.u32 s24, $0xD  }
0x1c: {  	s26 =	sor.u32 $0x1000, s25  }
0x1d: {  	s28 =	sshrl.u32 s26, $0x3  }
0x1e: {  	s31 =	sadd.s32 s3, s26;
	s28 =	sadd.s32 s5, s28  }
0x1f: {  	[tilespmem:s14], [sflag:$0x2] =	stream.linear.gather [hbm4b:s28+s23], $0x1000, $0x38;
	[tilespmem:$0xB000] =	vst v63  }
0x20: {  	s26 =	sadd.s32 s6, s26;
	s28 =	sshrl.u32 s31, $0x3  }
0x21: {  	s26 =	sshrl.u32 s26, $0x3;
	s28 =	sadd.s32 s4, s28  }
0x22: {  	[tilespmem:s15], [sflag:$0x2] =	stream.linear.gather [hbm4b:s28+s23], $0x1000, $0x38;
	[tilespmem:$0xB000] =	vst v63  }
0x23: {  	s26 =	sadd.s32 s4, s26  }
0x24: {  	[tilespmem:s16], [sflag:$0x2] =	stream.linear.gather [hbm4b:s26+s23], $0x1000, $0x38;
	[tilespmem:$0xB000] =	vst v63  }
0x25: {  	_ =	swait.ge [sflag:s17], $0x1000  }
0x26: {  	[sflag:s17] =	ssyncset.done $0x0  }
0x27: {  	[sflag:s17] =	ssyncadd.s32 $0xFFFFF000  }
0x28: {  	_ =	swait.ge [sflag:s17], $0x1000  }
0x29: {  	[sflag:s17] =	ssyncset.done $0x0  }
0x2a: {  	[sflag:s17] =	ssyncadd.s32 $0xFFFFF000  }
0x2b: {  	_ =	swait.ge [sflag:s17], $0x1000  }
0x2c: {  	[sflag:s17] =	ssyncset.done $0x0  }
0x2d: {  	s26 =	simm.s32 $0x0;
	[sflag:s17] =	ssyncadd.s32 $0xFFFFF000  }
.LBB2_5:
0x2e: {  	s28 =	sshra.s32 s26, $0x2  }
0x2f: {  	v1 =	vld [tilespmem:s28+$0x0];
	_ =	sdelay $0x2  }
0x30: {  	v2 =	vld [tilespmem:s28+$0x1000];
	_ =	sdelay $0x4  }
0x31: {  	[tilespmem:v1+s18+$0x0] =	vst.idx.add.f32.msk $0xffff, v2  }
0x32: {  	v2 =	vld [tilespmem:s28+$0x2000];
	_ =	sdelay $0x4  }
0x33: {  	[tilespmem:v1+s19+$0x0] =	vst.idx.add.f32.msk $0xffff, v2  }
0x34: {  	v1 =	vld [tilespmem:s28+$0x10];
	_ =	sdelay $0x2  }
0x35: {  	v2 =	vld [tilespmem:s28+$0x1010];
	_ =	sdelay $0x4  }
0x36: {  	[tilespmem:v1+s18+$0x0] =	vst.idx.add.f32.msk $0xffff, v2  }
0x37: {  	v2 =	vld [tilespmem:s28+$0x2010];
	_ =	sdelay $0x4  }
0x38: {  	[tilespmem:v1+s19+$0x0] =	vst.idx.add.f32.msk $0xffff, v2  }
0x39: {  	v1 =	vld [tilespmem:s28+$0x20];
	_ =	sdelay $0x2  }
0x3a: {  	v2 =	vld [tilespmem:s28+$0x1020];
	_ =	sdelay $0x4  }
0x3b: {  	[tilespmem:v1+s18+$0x0] =	vst.idx.add.f32.msk $0xffff, v2  }
0x3c: {  	v2 =	vld [tilespmem:s28+$0x2020];
	_ =	sdelay $0x4  }
0x3d: {  	[tilespmem:v1+s19+$0x0] =	vst.idx.add.f32.msk $0xffff, v2  }
0x3e: {  	v1 =	vld [tilespmem:s28+$0x30];
	_ =	sdelay $0x2  }
0x3f: {  	v2 =	vld [tilespmem:s28+$0x1030];
	_ =	sdelay $0x4  }
0x40: {  	[tilespmem:v1+s18+$0x0] =	vst.idx.add.f32.msk $0xffff, v2  }
0x41: {  	p0 =	sne.s32 s26, $0x3F00;
	v2 =	vld [tilespmem:s28+$0x2030]  }
.Ltmp1:
0x42: {  	_ = 	snop;
	(pc) =	sbr.rel @p0 .LBB2_5-.Ltmp1, $2  }
0x43: {  	_ =	sdelay $0x2  }
0x44: {  	s26 =	sadd.s32 $0x100, s26;
	[tilespmem:v1+s19+$0x0] =	vst.idx.add.f32.msk $0xffff, v2  }
0x45: {  	p0 =	seq.s32 s24, $0x13  }
0x46: {  	s25 =	sadd.s32 @!p0 $0x2000, s25  }
0x47: {  	s26 =	sshrl.u32 @!p0 s25, $0x3  }
0x48: {  	s28 =	simm.s32 @!p0 $0x0;
	s26 =	sadd.s32 @!p0 s5, s26  }
0x49: {  	[tilespmem:s28], [sflag:$0x1] =	stream.linear.gather @!p0 [hbm4b:s26+s28], $0x1000, $0x38;
	[tilespmem:$0xB000] =	vst v63  }
0x4a: {  	s26 =	sadd.s32 @!p0 s3, s25  }
0x4b: {  	s25 =	sadd.s32 @!p0 s6, s25;
	s26 =	sshrl.u32 @!p0 s26, $0x3  }
0x4c: {  	s29 =	simm.s32 @!p0 $0x1000;
	s25 =	sshrl.u32 @!p0 s25, $0x3;
	s26 =	sadd.s32 @!p0 s4, s26  }
0x4d: {  	[tilespmem:s29], [sflag:$0x1] =	stream.linear.gather @!p0 [hbm4b:s26+s28], $0x1000, $0x38;
	[tilespmem:$0xB000] =	vst v63  }
0x4e: {  	s25 =	sadd.s32 @!p0 s4, s25;
	s26 =	simm.s32 @!p0 $0x2000  }
0x4f: {  	[tilespmem:s26], [sflag:$0x1] =	stream.linear.gather @!p0 [hbm4b:s25+s28], $0x1000, $0x38;
	[tilespmem:$0xB000] =	vst v63  }
0x50: {  	_ =	swait.ge [sflag:s20], $0x1000  }
0x51: {  	[sflag:s20] =	ssyncset.done $0x0  }
0x52: {  	[sflag:s20] =	ssyncadd.s32 $0xFFFFF000  }
0x53: {  	_ =	swait.ge [sflag:s20], $0x1000  }
0x54: {  	[sflag:s20] =	ssyncset.done $0x0  }
0x55: {  	[sflag:s20] =	ssyncadd.s32 $0xFFFFF000  }
0x56: {  	_ =	swait.ge [sflag:s20], $0x1000  }
0x57: {  	[sflag:s20] =	ssyncset.done $0x0  }
0x58: {  	s25 =	simm.s32 $0x0;
	[sflag:s20] =	ssyncadd.s32 $0xFFFFF000  }
.LBB2_7:
0x59: {  	s26 =	sshra.s32 s25, $0x2  }
0x5a: {  	v1 =	vld [tilespmem:s26+$0x3000];
	_ =	sdelay $0x2  }
0x5b: {  	v2 =	vld [tilespmem:s26+$0x4000];
	_ =	sdelay $0x4  }
0x5c: {  	[tilespmem:v1+s18+$0x0] =	vst.idx.add.f32.msk $0xffff, v2  }
0x5d: {  	v2 =	vld [tilespmem:s26+$0x5000];
	_ =	sdelay $0x4  }
0x5e: {  	[tilespmem:v1+s19+$0x0] =	vst.idx.add.f32.msk $0xffff, v2  }
0x5f: {  	v1 =	vld [tilespmem:s26+$0x3010];
	_ =	sdelay $0x2  }
0x60: {  	v2 =	vld [tilespmem:s26+$0x4010];
	_ =	sdelay $0x4  }
0x61: {  	[tilespmem:v1+s18+$0x0] =	vst.idx.add.f32.msk $0xffff, v2  }
0x62: {  	v2 =	vld [tilespmem:s26+$0x5010];
	_ =	sdelay $0x4  }
0x63: {  	[tilespmem:v1+s19+$0x0] =	vst.idx.add.f32.msk $0xffff, v2  }
0x64: {  	v1 =	vld [tilespmem:s26+$0x3020];
	_ =	sdelay $0x2  }
0x65: {  	v2 =	vld [tilespmem:s26+$0x4020];
	_ =	sdelay $0x4  }
0x66: {  	[tilespmem:v1+s18+$0x0] =	vst.idx.add.f32.msk $0xffff, v2  }
0x67: {  	v2 =	vld [tilespmem:s26+$0x5020];
	_ =	sdelay $0x4  }
0x68: {  	[tilespmem:v1+s19+$0x0] =	vst.idx.add.f32.msk $0xffff, v2  }
0x69: {  	v1 =	vld [tilespmem:s26+$0x3030];
	_ =	sdelay $0x2  }
0x6a: {  	v2 =	vld [tilespmem:s26+$0x4030];
	_ =	sdelay $0x4  }
0x6b: {  	[tilespmem:v1+s18+$0x0] =	vst.idx.add.f32.msk $0xffff, v2  }
0x6c: {  	p0 =	sne.s32 s25, $0x3F00;
	v2 =	vld [tilespmem:s26+$0x5030]  }
.Ltmp2:
0x6d: {  	_ = 	snop;
	(pc) =	sbr.rel @p0 .LBB2_7-.Ltmp2, $2  }
0x6e: {  	_ =	sdelay $0x2  }
0x6f: {  	s25 =	sadd.s32 $0x100, s25;
	[tilespmem:v1+s19+$0x0] =	vst.idx.add.f32.msk $0xffff, v2  }
0x70: {  	s24 =	sadd.s32 $0x1, s24  }
0x71: {  	p0 =	sne.s32 s24, $0x14  }
.Ltmp3:
0x72: {  	_ = 	snop;
	(pc) =	sbr.rel @p0 .LBB2_4-.Ltmp3, $1  }
0x73: {  	_ =	sdelay $0x3  }
0x74: {  	[hbm4b:s9+s2] =	stream.linear.scatter [tilespmem:s18], [sflag:$0x3], $0x2800, $0x38;
	[tilespmem:$0xB000] =	vst v63  }
0x75: {  	s22 =	sadd.s32 $0x1, s22;
	_ =	swait.ge [sflag:s21], $0x2800  }
0x76: {  	p0 =	sne.s32 s22, s11;
	[sflag:s21] =	ssyncset.done $0x0  }
.Ltmp4:
0x77: {  	[sflag:s21] =	ssyncadd.s32 $0xFFFFD800;
	(pc) =	sbr.rel @p0 .LBB2_1-.Ltmp4, $4  }
0x78: {  	[hbm4b:s10+s2] =	stream.linear.scatter [tilespmem:s19], [sflag:$0x3], $0x2800, $0x38;
	[tilespmem:$0xB000] =	vst v63  }
0x79: {  	_ =	swait.ge [sflag:s21], $0x2800  }
0x7a: {  	[sflag:s21] =	ssyncset.done $0x0  }
0x7b: {  	[sflag:s21] =	ssyncadd.s32 $0xFFFFD800  }
0x7c: {  	_ =	sfence.sel $0x180000  }
0x7d: {  	[bflag:$0x0] =	sbarrier.arrive $0xFFFF  }
0x7e: {  	p0 =	sne.s32 s1, $0x0;
	_ =	strace $0x9000004D  }
0x7f: {  	s0 =	sadd.s32 @!p0 $0x100000, s0;
	[bflag:$0x2] =	sbarrier.arrive $0xFFFF  }
0x80: {  	[sflag:s0] =	ssyncadd.tile.s32 @!p0 $0x1;
	_ =	shalt  }
.Lfunc_end2:
_tile_overlayer_lowered:
.L_overlay_start_2:
0x81: {  	(tag) =	ssettag $0x2  }
0x82: {  	s0 =	rddreg [dreg:$0x0];
	s2 =	stileid.u32  }
0x83: {  	s1 =	rddreg [dreg:$0x1];
	p0 =	sne.s32 s2, $0x0  }
0x84: {  	s3 =	rddreg [dreg:$0x2];
	[bflag:$0x3] =	sbarrier.arrive $0xFFFF;
	s2 =	simm.s32 @!p0 $0x1C03  }
0x85: {  	[timem:s3], [sflag:s2] =	dma.local @!p0 [hbm:s0], s1  }
0x86: {  	s0 =	simm.s32 @!p0 $0x3  }
0x87: {  	_ =	swait.ge @!p0 [sflag:s0], s1  }
0x88: {  	s1 =	ssub.s32 @!p0 $0x0, s1;
	[sflag:s0] =	ssyncset.done @!p0 $0x0  }
0x89: {  	[sflag:s0] =	ssyncadd.s32 @!p0 s1  }
0x8a: {  	[bflag:$0x3] =	sbarrier.arrive $0xFFFF  }
0x8b: {  	_ =	shalt  }

// kernel: sparse-core-data-format-call.cloned.1.call-start
scs
called_computation_lowered:
.L_overlay_start_0:
0x0: {  	s1 =	sld [smem:$0x3FD9]  }
0x1: {  	s2 =	sld [smem:$0x3FFE];
	_ =	sdelay $0x1  }
0x2: {  	s3 =	srdreg.scid  }
0x3: {  	s0 =	sand.u32 $0x1, s3  }
0x4: {  	s17 =	sshll.u32 s0, $0xA;
	s1 =	sadd.s32 s2, s1  }
0x5: {  	s1 =	sadd.s32 s1, s17  }
0x6: {  	[smem:$0x3FBF] =	sst s1  }
0x7: {  	_ = 	snop  }
0x8: {  	(tm) =	ssettm $0x1  }
0x9: {  	s18 =	sld [smem:$0x3FFB];
	_ =	sdelay $0x3  }
0xa: {  	_ =	strace s18  }
0xb: {  	s1 =	sld [smem:$0x3FFC];
	_ =	sdelay $0x3  }
0xc: {  	_ =	strace s1  }
0xd: {  	s1 =	sld [smem:$0x3FFD];
	_ =	sdelay $0x3  }
0xe: {  	_ =	strace s1  }
0xf: {  	_ =	strace $0x8FFFFFFF  }
0x10: {  	s19 =	sld [smem:$0x3FDB];
	_ =	sdelay $0x1  }
0x11: {  	s20 =	simm.s32 $_scs_section_size  }
0x12: {  	s4 =	simm.s32 $_size__tile_overlayer_lowered;
	s5 =	simm.s32 $_tile_overlayer_lowered  }
0x13: {  	s23 =	simm.s32 $0x1BFF;
	s22 =	sshll.u32 s5, $0x1;
	s1 =	sadd.s32 s20, s19  }
0x14: {  	s6 =	simm.s32 $0x0;
	s21 =	sshll.u32 s4, $0x1;
	s4 =	sadd.s32 s22, s1  }
0x15: {  	[timem:s6], [sflag:s23] =	dma.local [hbm:s4], s21  }
0x16: {  	_ =	swait.ge [sflag:s23], s21  }
0x17: {  	s2 =	ssub.s32 $0x0, s21;
	[sflag:s23] =	ssyncset.done $0x0  }
0x18: {  	[sflag:s23] =	ssyncadd.s32 s2;
	_ =	sdelay $0x1  }
0x19: {  	s24 =	simm.s32 $0x1B8B  }
0x1a: {  	_ =	swait.ge [sflag:s24], $0x1  }
0x1b: {  	[sflag:s24] =	ssyncset.done $0x0  }
0x1c: {  	s26 =	simm.s32 $0x1B8E;
	s25 =	sld [smem:$0x3FFE];
	[sflag:s24] =	ssyncadd.s32 $0xFFFFFFFF  }
0x1d: {  	s27 =	simm.s32 $execute0_lowered;
	[smem:$0x3FD2] =	sst s26  }
0x1e: {  	s4 =	sshll.u32 s27, $0x1;
	_ =	strace $0x80000049;
	[dreg:$0x1] =	wrdreg $0xFFFFFFFF  }
0x1f: {  	s28 =	simm.s32 $_size_execute0_lowered;
	s1 =	sadd.s32 s1, s4;
	[dreg:$0x0] =	wrdreg $0x0  }
0x20: {  	s4 =	sshll.u32 s28, $0x1;
	[dreg:$0x2] =	wrdreg s1  }
0x21: {  	[dreg:$0x3] =	wrdreg s4  }
0x22: {  	[dreg:$0x4] =	wrdreg $0xC0  }
0x23: {  	_ =	task [dreg:s6], $0x5FFFF  }
0x24: {  	[dreg:$0x1] =	wrdreg $0xFFFFFFFF  }
0x25: {  	[dreg:$0x0] =	wrdreg $0x60  }
0x26: {  	[dreg:$0x2] =	wrdreg s25  }
0x27: {  	[dreg:$0x3] =	wrdreg $0x9  }
0x28: {  	_ =	task.clear_ibuf [dreg:s6], $0x4FFFF;
	_ =	strace $0x90000049  }
0x29: {  	s29 =	simm.s32 $0x9;
	_ =	strace $0x8000004B  }
0x2a: {  	_ =	swait.ge [sflag:s29], $0x1  }
0x2b: {  	[sflag:s29] =	ssyncadd.s32 $0xFFFFFFFF  }
0x2c: {  	_ =	strace $0x9000004B  }
0x2d: {  	_ =	sfence  }
0x2e: {  	s30 =	sld [smem:$0x0];
	_ =	sdelay $0x2  }
0x2f: {  	s31 =	sshll.u32 s3, $0xD;
	s3 =	sshrl.u32 s3, $0x2  }
0x30: {  	s2 =	sand.u32 $0x4000, s31;
	s1 =	sadd.s32 s3, s30  }
0x31: {  	s0 =	sor.u32 s2, s0;
	s1 =	sshll.u32 s1, $0x11  }
0x32: {  	s0 =	sor.u32 s1, s0  }
0x33: {  	s0 =	sadd.s32 $0x8F2B, s0  }
0x34: {  	[sflag:s0] =	ssyncadd.remote.s32 $0x1  }
0x35: {  	_ =	sfence.sel $0xFFFF  }
0x36: {  	[dreg:$0x0] =	wrdreg $0xFFFFFFFF;
	(pc) =	sbr.abs _section_cstart, $3  }
0x37: {  	[dreg:$0x1] =	wrdreg $0xFFFFFFFF  }
0x38: {  	_ =	task.clear_ibuf [dreg:s6], $0x2FFFF;
	_ =	strace $0x9FFFFFFF  }
0x39: {  	(tm) =	ssettm $0x7FFFFFFF  }
tec
execute0_lowered:
.L_overlay_start_1:
0x0: {  	(tag) =	ssettag $0x1  }
0x1: {  	s0 =	stileid.u32  }
0x2: {  	s1 =	srdreg.scid;
	s4 =	rddreg [dreg:$0x0]  }
0x3: {  	s7 =	simm.s32 $0x1;
	s8 =	simm.s32 $0x2;
	s15 =	simm.s32 $0x0  }
0x4: {  	s9 =	simm.s32 $0x800;
	s2 =	sshll.u32 s0, $0x1;
	s1 =	sshll.u32 s1, $0x5  }
0x5: {  	s10 =	simm.s32 $0x28000;
	s11 =	simm.s32 $0x0;
	s1 =	sor.u32 s2, s1  }
0x6: {  	s16 =	simm.s32 $0x0;
	s14 =	simm.s32 $0x0;
	s2 =	sand.u32 $0x30, s1  }
0x7: {  	s3 =	sadd.s32 $0x8A00, s4;
	s4 =	sadd.s32 $0x148A00, s4;
	s6 =	ssub.s32 $0x500, s2  }
.Ltmp0:
0x8: {  	s1 =	rddreg [dreg:$0x1];
	s5 =	sand.u32 $0x30, s6;
	(pc) =	sbr.rel .LBB1_1-.Ltmp0, $4  }
0x9: {  	_ =	strace $0x8000004A;
	s12 =	smov.u32 s2;
	p0 =	sne.s32 s5, $0x0  }
0xa: {  	s6 =	sshrl.u32 s6, $0x6;
	s5 =	simm.s32 $0x1;
	s7 =	simm.s32 @!p0 $0x0  }
0xb: {  	[sflag:s5] =	ssyncpa.u1 $0x0;
	s6 =	sadd.s32 s7, s6;
	s7 =	sand.u32 $0x7, s0  }
0xc: {  	[sflag:s8] =	ssyncpa.u1 $0x0;
	s8 =	sadd.s32 $0x1, s6;
	s13 =	smov.u32 s7  }
.LBB1_7:
0xd: {  	s17 =	sadd.s32 $0x40, s12  }
0xe: {  	s15 =	sadd.s32 $0x8, s13;
	s19 =	smov.u32 s13;
	p1 =	sgt.s32 s17, $0x4FF  }
0xf: {  	s19 =	smov.u32 @p1 s15  }
0x10: {  	s17 =	smov.u32 @p1 s2;
	p1 =	sgt.s32 s19, $0x7  }
0x11: {  	s19 =	smov.u32 @p1 s7;
	p1 =	sne.s32 s14, s8  }
.Ltmp1:
0x12: {  	p0 =	slt.u32 s14, $0x2;
	(pc) =	sbr.rel @!p1 .LBB1_8-.Ltmp1, $4  }
0x13: {  	s18 =	simm.s32 @!p0 $0x2  }
0x14: {  	s16 =	smov.u32 s13;
	s11 =	sadd.s32 $0x4000, s11;
	_ =	swait.ge @!p0 [sflag:s18], $0x4000  }
0x15: {  	s15 =	smov.u32 s12;
	[sflag:s18] =	ssyncset.done @!p0 $0x0;
	s12 =	smov.u32 s17  }
0x16: {  	s14 =	sadd.s32 $0x1, s14;
	[sflag:s18] =	ssyncadd.s32 @!p0 $0xFFFFC000;
	s13 =	smov.u32 s19  }
.LBB1_1:
0x17: {  	p0 =	sge.u32 s14, s6  }
0x18: {  	s17 =	smul.u32 @!p0 $0x28000, s13  }
0x19: {  	s31 =	sadd.s32 $0xFFFFFFFF, s14;
	s18 =	sxor.u32 @!p0 $0xFFFFFFFF, s14  }
0x1a: {  	s19 =	sshll.u32 @!p0 s12, $0x7;
	s18 =	sshll.u32 @!p0 s18, $0xE;
	s17 =	sadd.s32 @!p0 s3, s17  }
0x1b: {  	s18 =	sand.u32 @!p0 $0x4000, s18;
	s17 =	sadd.s32 @!p0 s19, s17;
	s19 =	simm.s32 @!p0 $0x0  }
0x1c: {  	[tilespmem:s18], [sflag:$0x1] =	stream.linear.gather @!p0 [hbm4b:s17+s19], $0x4000, $0x38;
	[tilespmem:$0x10000] =	vst v63  }
0x1d: {  	p0 =	sge.u32 s31, s6  }
.Ltmp2:
0x1e: {  	_ = 	snop;
	(pc) =	sbr.rel @p0 .LBB1_7-.Ltmp2, $1  }
0x1f: {  	_ =	sdelay $0x3  }
0x20: {  	s17 =	sand.u32 $0x4000, s11  }
0x21: {  	_ =	swait.ge [sflag:s5], $0x4000;
	s20 =	sshll.u32 s14, $0xE;
	s18 =	sor.u32 $0x8040, s17  }
0x22: {  	s19 =	sor.u32 $0x40, s17;
	[sflag:s5] =	ssyncset.done $0x0;
	s31 =	sand.u32 $0x4000, s20  }
0x23: {  	s20 =	simm.s32 $0x0;
	[sflag:s5] =	ssyncadd.s32 $0xFFFFC000;
	s17 =	sor.u32 $0x8000, s31  }
.LBB1_3:
0x24: {  	v0 =	vmov s19;
	_ =	sdelay $0x3  }
0x25: {  	s22 =	simm.s32 $0x0  }
0x26: {  	v6 =	vld.idx.msk [tilespmem:v0+s22+$0x30 ss:$0x1], $0xffff  }
0x27: {  	v7 =	vld.idx.msk [tilespmem:v0+s22+$0xFFFFFFC0 ss:$0x1], $0xffff  }
0x28: {  	v5 =	vld.idx.msk [tilespmem:v0+s22+$0xFFFFFFD0 ss:$0x1], $0xffff  }
0x29: {  	v4 =	vld.idx.msk [tilespmem:v0+s22+$0xFFFFFFE0 ss:$0x1], $0xffff  }
0x2a: {  	v3 =	vld.idx.msk [tilespmem:v0+s22+$0xFFFFFFF0 ss:$0x1], $0xffff  }
0x2b: {  	v1 =	vld.idx.msk [tilespmem:v0+s22+$0x0 ss:$0x1], $0xffff  }
0x2c: {  	v2 =	vld.idx.msk [tilespmem:v0+s22+$0x10 ss:$0x1], $0xffff;
	[tilespmem:s18+$0x30] =	vst v6  }
0x2d: {  	s21 =	simm.s32 $0x80;
	s23 =	simm.s32 $0x400;
	[tilespmem:s18+$0xFFFFFFC0] =	vst v7;
	v6 =	vld.idx.msk [tilespmem:v0+s22+$0x20 ss:$0x1], $0xffff;
	s22 =	smov.u32 s18  }
.LBB1_4:
0x2e: {  	p0 =	sne.s32 s23, $0xE00;
	v7 =	vld.idx.msk [tilespmem:v0+s21+$0x30 ss:$0x1], $0xffff;
	[tilespmem:s22+$0xFFFFFFD0] =	vst v5  }
0x2f: {  	v8 =	vld.idx.msk [tilespmem:v0+s21+$0xFFFFFFC0 ss:$0x1], $0xffff;
	[tilespmem:s22+$0xFFFFFFE0] =	vst v4  }
0x30: {  	v5 =	vld.idx.msk [tilespmem:v0+s21+$0xFFFFFFD0 ss:$0x1], $0xffff;
	[tilespmem:s22+$0xFFFFFFF0] =	vst v3  }
.Ltmp3:
0x31: {  	v4 =	vld.idx.msk [tilespmem:v0+s21+$0xFFFFFFE0 ss:$0x1], $0xffff;
	[tilespmem:s22+$0x0] =	vst v1;
	(pc) =	sbr.rel @p0 .LBB1_4-.Ltmp3, $4  }
0x32: {  	v3 =	vld.idx.msk [tilespmem:v0+s21+$0xFFFFFFF0 ss:$0x1], $0xffff;
	[tilespmem:s22+$0x10] =	vst v2  }
0x33: {  	v1 =	vld.idx.msk [tilespmem:v0+s21+$0x0 ss:$0x1], $0xffff;
	[tilespmem:s22+$0x20] =	vst v6;
	s22 =	sadd.s32 $0x800, s22  }
0x34: {  	v2 =	vld.idx.msk [tilespmem:v0+s21+$0x10 ss:$0x1], $0xffff;
	[tilespmem:s22+$0x30] =	vst v7  }
0x35: {  	[tilespmem:s22+$0xFFFFFFC0] =	vst v8;
	v6 =	vld.idx.msk [tilespmem:v0+s21+$0x20 ss:$0x1], $0xffff;
	s21 =	sshra.s32 s23, $0x2;
	s23 =	sadd.s32 $0x200, s23  }
0x36: {  	_ =	sdelay $0x2  }
0x37: {  	[tilespmem:s22+$0xFFFFFFD0] =	vst v5  }
0x38: {  	v56 =	vld.idx.msk [tilespmem:v0+s21+$0x30 ss:$0x1], $0xffff;
	[tilespmem:s22+$0xFFFFFFE0] =	vst v4  }
0x39: {  	v57 =	vld.idx.msk [tilespmem:v0+s21+$0xFFFFFFC0 ss:$0x1], $0xffff;
	[tilespmem:s22+$0xFFFFFFF0] =	vst v3  }
0x3a: {  	v58 =	vld.idx.msk [tilespmem:v0+s21+$0xFFFFFFD0 ss:$0x1], $0xffff;
	[tilespmem:s22+$0x0] =	vst v1  }
0x3b: {  	v59 =	vld.idx.msk [tilespmem:v0+s21+$0xFFFFFFE0 ss:$0x1], $0xffff;
	[tilespmem:s22+$0x10] =	vst v2  }
0x3c: {  	v60 =	vld.idx.msk [tilespmem:v0+s21+$0xFFFFFFF0 ss:$0x1], $0xffff;
	s31 =	sadd.s32 $0x800, s22;
	[tilespmem:s22+$0x20] =	vst v6  }
0x3d: {  	v61 =	vld.idx.msk [tilespmem:v0+s21+$0x0 ss:$0x1], $0xffff;
	[tilespmem:s31+$0x30] =	vst v56  }
0x3e: {  	v62 =	vld.idx.msk [tilespmem:v0+s21+$0x10 ss:$0x1], $0xffff;
	s20 =	sadd.s32 $0x1, s20;
	[tilespmem:s31+$0xFFFFFFC0] =	vst v57  }
0x3f: {  	v63 =	vld.idx.msk [tilespmem:v0+s21+$0x20 ss:$0x1], $0xffff;
	p0 =	sne.s32 s20, $0x10;
	[tilespmem:s31+$0xFFFFFFD0] =	vst v58  }
.Ltmp4:
0x40: {  	[tilespmem:s31+$0xFFFFFFE0] =	vst v59;
	(pc) =	sbr.rel @p0 .LBB1_3-.Ltmp4, $4  }
0x41: {  	[tilespmem:s31+$0xFFFFFFF0] =	vst v60  }
0x42: {  	[tilespmem:s31+$0x0] =	vst v61  }
0x43: {  	[tilespmem:s31+$0x10] =	vst v62  }
0x44: {  	s18 =	sadd.s32 $0x80, s18;
	s19 =	sadd.s32 $0x400, s19;
	[tilespmem:s31+$0x20] =	vst v63  }
0x45: {  	s15 =	sand.u32 $0x1FFFFFF, s15  }
0x46: {  	s18 =	smulhi.u32 $0xCCCCCD, s15;
	_ =	sdelay $0x1  }
0x47: {  	s16 =	smul.u32 $0x28000, s16;
	s18 =	sshrl.u32 s18, $0x2  }
0x48: {  	s18 =	smul.u32 $0x500, s18  }
.Ltmp5:
0x49: {  	_ = 	snop;
	(pc) =	sbr.rel .LBB1_7-.Ltmp5, $4  }
0x4a: {  	s15 =	ssub.s32 s15, s18  }
0x4b: {  	s16 =	sadd.s32 s4, s16;
	s15 =	sshll.u32 s15, $0x4  }
0x4c: {  	s15 =	sadd.s32 s15, s16  }
0x4d: {  	[hbm4b:s15+s9] =	stream.strided.scatter [tilespmem:s17], [sflag:$0x2], $0x4000, s10, s9, $0x38;
	[tilespmem:$0x10000] =	vst v63  }
.LBB1_8:
0x4e: {  	_ =	sfence.sel $0x180000  }
0x4f: {  	s2 =	simm.s32 $0x1;
	[bflag:$0x0] =	sbarrier.arrive $0xFFFF  }
0x50: {  	s31 =	simm.s32 $0x2;
	[sflag:s2] =	ssyncpa.u1 $0x1  }
0x51: {  	[sflag:s31] =	ssyncpa.u1 $0x1  }
0x52: {  	p0 =	sne.s32 s0, $0x0;
	_ =	strace $0x9000004A  }
0x53: {  	s0 =	sadd.s32 @!p0 $0x100000, s1;
	[bflag:$0x2] =	sbarrier.arrive $0xFFFF  }
0x54: {  	[sflag:s0] =	ssyncadd.tile.s32 @!p0 $0x1;
	_ =	shalt  }
.Lfunc_end1:
_tile_overlayer_lowered:
.L_overlay_start_2:
0x55: {  	(tag) =	ssettag $0x2  }
0x56: {  	s0 =	rddreg [dreg:$0x0];
	s2 =	stileid.u32  }
0x57: {  	s1 =	rddreg [dreg:$0x1];
	p0 =	sne.s32 s2, $0x0  }
0x58: {  	s3 =	rddreg [dreg:$0x2];
	[bflag:$0x3] =	sbarrier.arrive $0xFFFF;
	s2 =	simm.s32 @!p0 $0x1C01  }
0x59: {  	[timem:s3], [sflag:s2] =	dma.local @!p0 [hbm:s0], s1  }
0x5a: {  	s0 =	simm.s32 @!p0 $0x1  }
0x5b: {  	_ =	swait.ge @!p0 [sflag:s0], s1  }
0x5c: {  	s1 =	ssub.s32 @!p0 $0x0, s1;
	[sflag:s0] =	ssyncset.done @!p0 $0x0  }
0x5d: {  	[sflag:s0] =	ssyncadd.s32 @!p0 s1  }
0x5e: {  	[bflag:$0x3] =	sbarrier.arrive $0xFFFF  }
0x5f: {  	_ =	shalt  }

</sc_bundles>
